<compile_context>
chip_gen: v7x
topology: tpu7x:2x2x1
jax: 0.10.2.dev20260603
libtpu: 0.0.44.dev20260713+nightly
codegen_flags: <defaults>
</compile_context>

<pallas_src>
import functools

import jax
import jax.numpy as jnp
from jax import lax
from jax.experimental import pallas as pl
from jax.experimental.pallas import tpu as pltpu
from jax.experimental.pallas import tpu_sc as plsc

_LANES = 16
_BLK = 128
_LNC = (-1.8895877110388932, 3.385218192432659, -2.331779405969581,
        1.1162195608328185, -0.33073590701041583, 0.05458546334426203,
        -0.003832756714011353)


def _proj_body(w_ref, z_ref, b_ref, out_ref):
    w = w_ref[...]
    z = z_ref[...]
    h = w.shape[1] // 2
    dn = (((1,), (1,)), ((), ()))
    s = lax.dot_general(w[:, :h], z, dn, preferred_element_type=jnp.float32)
    d = lax.dot_general(w[:, h:], z, dn, preferred_element_type=jnp.float32)
    sb = s + b_ref[...][:, None]
    pad = jnp.zeros((2, s.shape[1]), jnp.float32)
    out_ref[...] = jnp.concatenate([sb, d, pad], axis=0)


def _make_sc_gather(n_nodes, n_edges):
    info = plsc.get_sparse_core_info()
    nc, ns = info.num_cores, info.num_subcores
    nw = nc * ns
    n_blocks = n_edges // _BLK
    blocks_per_w = -(-n_blocks // nw)
    last_start = n_blocks - blocks_per_w
    e_per_w = blocks_per_w * _BLK
    mesh = plsc.VectorSubcoreMesh(core_axis_name="c", subcore_axis_name="s")

    @functools.partial(
        pl.kernel,
        out_type=jax.ShapeDtypeStruct((3, n_edges), jnp.float32),
        mesh=mesh,
        scratch_types=[
            pltpu.VMEM((6 * n_nodes,), jnp.float32),
            pltpu.VMEM((blocks_per_w, 2, _BLK), jnp.int32),
            pltpu.VMEM((3, e_per_w), jnp.float32),
            pltpu.SemaphoreType.DMA,
            pltpu.SemaphoreType.DMA,
        ],
        compiler_params=pltpu.CompilerParams(needs_layout_passes=False),
    )
    def sc_gather(tab_hbm, ei_hbm, out_hbm, tab_v, ei_v, out_v, sem0, sem1):
        wid = lax.axis_index("s") * nc + lax.axis_index("c")
        sb = (wid * last_start) // (nw - 1)
        cp_tab = pltpu.async_copy(tab_hbm.at[pl.ds(0, 6 * n_nodes)], tab_v,
                                  sem0)
        cp_idx = pltpu.async_copy(ei_hbm.at[pl.ds(sb, blocks_per_w)], ei_v,
                                  sem1)
        cp_tab.wait()
        cp_idx.wait()

        def compute16(ev0, ev1, o_ref, col):
            s0 = plsc.load_gather(tab_v, [ev0])
            s1 = plsc.load_gather(tab_v, [ev0 + n_nodes])
            s2 = plsc.load_gather(tab_v, [ev0 + 2 * n_nodes])
            d0 = plsc.load_gather(tab_v, [ev1 + 3 * n_nodes])
            d1 = plsc.load_gather(tab_v, [ev1 + 4 * n_nodes])
            d2 = plsc.load_gather(tab_v, [ev1 + 5 * n_nodes])
            l0, l1, l2 = s0 + d0, s1 + d1, s2 + d2
            m = jnp.maximum(jnp.maximum(l0, l1), l2)
            ssum = (jnp.exp(l0 - m) + jnp.exp(l1 - m) + jnp.exp(l2 - m))
            p = _LNC[6]
            for c in (_LNC[5], _LNC[4], _LNC[3], _LNC[2], _LNC[1], _LNC[0]):
                p = p * ssum + c
            lse = m + p
            sl = pl.ds(col, _LANES)
            o_ref[0, sl] = l0 - lse
            o_ref[1, sl] = l1 - lse
            o_ref[2, sl] = l2 - lse

        gpb = _BLK // _LANES

        @plsc.parallel_loop(0, blocks_per_w * gpb, unroll=6)
        def _main(i):
            b = i // gpb
            g = i % gpb
            ev0 = ei_v[b, 0, pl.ds(g * _LANES, _LANES)]
            ev1 = ei_v[b, 1, pl.ds(g * _LANES, _LANES)]
            compute16(ev0, ev1, out_v, i * _LANES)

        pltpu.async_copy(
            out_v, out_hbm.at[:, pl.ds(sb * _BLK, e_per_w)], sem1).wait()

    return sc_gather


def kernel(z, edge_index, W, b):
    n_nodes, hidden = z.shape
    n_edges = edge_index.shape[1]
    table = pl.pallas_call(
        _proj_body,
        out_shape=jax.ShapeDtypeStruct((8, n_nodes), jnp.float32),
    )(W, z, b)

    ei3 = (edge_index.astype(jnp.int32)
           .reshape(2, n_edges // _BLK, _BLK).transpose(1, 0, 2))
    planes = _make_sc_gather(n_nodes, n_edges)(table.reshape(-1), ei3)
    return planes.T

# --- scband reference (transcript-rebuilt; emitter-appended) ---
"""Pipeline reference for scband-base-model-73581379715259 (READ-ONLY COPY).

The authoritative reference and input builder live on the scoring server;
editing this copy changes nothing except your own understanding.
"""

import jax, jax.numpy as jnp
import numpy as np

N_NODES = 10000
HIDDEN = 128
N_EDGES = 320000

def setup_inputs(seed: int = 0) -> dict:
    key = jax.random.key(seed)
    k1, k2, k3, k4 = jax.random.split(key, 4)
    z = jax.random.normal(k1, (N_NODES, HIDDEN), dtype=jnp.float32)
    edge_index = jax.random.randint(k2, (2, N_EDGES), 0, N_NODES, dtype=jnp.int64)
    # nn.Linear(2*hidden_channels, 3): weight [3, 2*HIDDEN], bias [3]
    bound = 1.0 / np.sqrt(2 * HIDDEN)
    W = jax.random.uniform(k3, (3, 2 * HIDDEN), dtype=jnp.float32, minval=-bound, maxval=bound)
    b = jax.random.uniform(k4, (3,), dtype=jnp.float32, minval=-bound, maxval=bound)
    return {"z": z, "edge_index": edge_index, "W": W, "b": b}

def reference(z, edge_index, W, b):
    # BaseModel.discriminate: gather endpoint embeddings, concat, linear, log_softmax
    src = jnp.take(z, edge_index[0], axis=0)
    dst = jnp.take(z, edge_index[1], axis=0)
    value = jnp.concatenate([src, dst], axis=1)
    logits = value @ W.T + b
    return jax.nn.log_softmax(logits, axis=1)

if __name__ == "__main__":
    import jax
    _d = setup_inputs()
    print(jax.jit(kernel)(*tuple(_d.values())))

</pallas_src>

<mosaic_0001>
#map = affine_map<(d0, d1) -> (0)>
#map1 = affine_map<(d0, d1) -> (0, 0, 0)>
#map2 = affine_map<(d0, d1) -> (0, 0)>
module attributes {stable_mosaic.version = 14 : i64} {
  func.func @sc_gather(%arg0: i32, %arg1: i32, %arg2: memref<80000xf32, #tpu.memory_space<hbm>>, %arg3: memref<2500x2x128xi32, #tpu.memory_space<hbm>>, %arg4: memref<3x320000xf32, #tpu.memory_space<hbm>>, %arg5: memref<60000xf32, #tpu.memory_space<vmem>>, %arg6: memref<79x2x128xi32, #tpu.memory_space<vmem>>, %arg7: memref<3x10112xf32, #tpu.memory_space<vmem>>, %arg8: memref<!tpu.dma_semaphore, #tpu.memory_space<semaphore_mem>>, %arg9: memref<!tpu.dma_semaphore, #tpu.memory_space<semaphore_mem>>) attributes {dimension_semantics = [#tpu.dimension_semantics<core_parallel>, #tpu.dimension_semantics<subcore_parallel>], iteration_bounds = array<i64: 2, 16>, scalar_prefetch = 0 : i64, scratch_operands = 5 : i64, tpu.core_type = #tpu.core_type<sc_vector_subcore>, window_params = [{transform_indices = #map}, {transform_indices = #map1}, {transform_indices = #map2}]} {
    %mul3A = arith.constant 2 : i32
    %mul3A_0 = arith.muli %arg1, %mul3A : i32
    %add3A = arith.addi %mul3A_0, %arg0 : i32
    %mul3A_1 = arith.constant 2421 : i32
    %mul3A_2 = arith.muli %add3A, %mul3A_1 : i32
    %jit3A = arith.constant 31 : i32
    %div3A = arith.divsi %mul3A_2, %jit3A : i32
    %sign3A = arith.constant 0 : i32
    %sign3A_3 = arith.cmpi sgt, %mul3A_2, %sign3A : i32
    %sign3A_4 = arith.extui %sign3A_3 : i1 to i32
    %sign3A_5 = arith.constant 0 : i32
    %sign3A_6 = arith.cmpi slt, %mul3A_2, %sign3A_5 : i32
    %sign3A_7 = arith.extui %sign3A_6 : i1 to i32
    %sign3A_8 = arith.subi %sign3A_4, %sign3A_7 : i32
    %sign3A_9 = arith.constant 0 : i32
    %sign3A_10 = arith.cmpi sgt, %jit3A, %sign3A_9 : i32
    %sign3A_11 = arith.extui %sign3A_10 : i1 to i32
    %sign3A_12 = arith.constant 0 : i32
    %sign3A_13 = arith.cmpi slt, %jit3A, %sign3A_12 : i32
    %sign3A_14 = arith.extui %sign3A_13 : i1 to i32
    %sign3A_15 = arith.subi %sign3A_11, %sign3A_14 : i32
    %ne3A = arith.cmpi ne, %sign3A_8, %sign3A_15 : i32
    %rem3A = arith.remsi %mul3A_2, %jit3A : i32
    %ne3A_16 = arith.constant 0 : i32
    %ne3A_17 = arith.cmpi ne, %rem3A, %ne3A_16 : i32
    %and3A = arith.andi %ne3A, %ne3A_17 : i1
    %sub3A = arith.constant 1 : i32
    %sub3A_18 = arith.subi %div3A, %sub3A : i32
    %select_n3A = arith.select %and3A, %sub3A_18, %div3A : i32
    %dma_start3A = arith.constant 0 : i32
    %dma_start3A_19 = tpu.memref_slice %arg2[%dma_start3A] : memref<80000xf32, #tpu.memory_space<hbm>> -> memref<60000xf32, #tpu.memory_space<hbm>>
    %dma_start3A_20 = arith.constant 0 : i32
    %dma_start3A_21 = tpu.memref_slice %arg2[%dma_start3A_20] : memref<80000xf32, #tpu.memory_space<hbm>> -> memref<60000xf32, #tpu.memory_space<hbm>>
    tpu.enqueue_dma source(%dma_start3A_21 : memref<60000xf32, #tpu.memory_space<hbm>>) target(%arg5 : memref<60000xf32, #tpu.memory_space<vmem>>) target_semaphore(%arg8 : memref<!tpu.dma_semaphore, #tpu.memory_space<semaphore_mem>>)
    %dma_start3A_22 = arith.constant 0 : i32
    %dma_start3A_23 = arith.constant 0 : i32
    %dma_start3A_24 = tpu.memref_slice %arg3[%select_n3A, %dma_start3A_22, %dma_start3A_23] : memref<2500x2x128xi32, #tpu.memory_space<hbm>> -> memref<79x2x128xi32, #tpu.memory_space<hbm>>
    %dma_start3A_25 = arith.constant 0 : i32
    %dma_start3A_26 = arith.constant 0 : i32
    %dma_start3A_27 = tpu.memref_slice %arg3[%select_n3A, %dma_start3A_25, %dma_start3A_26] : memref<2500x2x128xi32, #tpu.memory_space<hbm>> -> memref<79x2x128xi32, #tpu.memory_space<hbm>>
    tpu.enqueue_dma source(%dma_start3A_27 : memref<79x2x128xi32, #tpu.memory_space<hbm>>) target(%arg6 : memref<79x2x128xi32, #tpu.memory_space<vmem>>) target_semaphore(%arg9 : memref<!tpu.dma_semaphore, #tpu.memory_space<semaphore_mem>>)
    %dma_wait3A = arith.constant 0 : i32
    %dma_wait3A_28 = tpu.memref_slice %arg2[%dma_wait3A] : memref<80000xf32, #tpu.memory_space<hbm>> -> memref<60000xf32, #tpu.memory_space<hbm>>
    %dma_wait3A_29 = arith.constant 0 : i32
    %dma_wait3A_30 = tpu.memref_slice %arg2[%dma_wait3A_29] : memref<80000xf32, #tpu.memory_space<hbm>> -> memref<60000xf32, #tpu.memory_space<hbm>>
    tpu.wait_dma2 semaphore(%arg8 : memref<!tpu.dma_semaphore, #tpu.memory_space<semaphore_mem>>) src(%dma_wait3A_30 : memref<60000xf32, #tpu.memory_space<hbm>>) dst(%arg5 : memref<60000xf32, #tpu.memory_space<vmem>>)
    %dma_wait3A_31 = arith.constant 0 : i32
    %dma_wait3A_32 = arith.constant 0 : i32
    %dma_wait3A_33 = tpu.memref_slice %arg3[%select_n3A, %dma_wait3A_31, %dma_wait3A_32] : memref<2500x2x128xi32, #tpu.memory_space<hbm>> -> memref<79x2x128xi32, #tpu.memory_space<hbm>>
    %dma_wait3A_34 = arith.constant 0 : i32
    %dma_wait3A_35 = arith.constant 0 : i32
    %dma_wait3A_36 = tpu.memref_slice %arg3[%select_n3A, %dma_wait3A_34, %dma_wait3A_35] : memref<2500x2x128xi32, #tpu.memory_space<hbm>> -> memref<79x2x128xi32, #tpu.memory_space<hbm>>
    tpu.wait_dma2 semaphore(%arg9 : memref<!tpu.dma_semaphore, #tpu.memory_space<semaphore_mem>>) src(%dma_wait3A_36 : memref<79x2x128xi32, #tpu.memory_space<hbm>>) dst(%arg6 : memref<79x2x128xi32, #tpu.memory_space<vmem>>)
    %parallel_loop3A = arith.constant 0 : i32
    %parallel_loop3A_37 = arith.constant 632 : i32
    %parallel_loop3A_38 = arith.constant 1 : i32
    scf.for %parallel_loop3A_49 = %parallel_loop3A to %parallel_loop3A_37 step %parallel_loop3A_38  : i32 {
      %parallel_loop3A_50 = arith.constant 8 : i32
      %parallel_loop3A_51 = arith.divsi %parallel_loop3A_49, %parallel_loop3A_50 : i32
      %parallel_loop3A_52 = arith.constant 0 : i32
      %parallel_loop3A_53 = arith.cmpi sgt, %parallel_loop3A_49, %parallel_loop3A_52 : i32
      %parallel_loop3A_54 = arith.extui %parallel_loop3A_53 : i1 to i32
      %parallel_loop3A_55 = arith.constant 0 : i32
      %parallel_loop3A_56 = arith.cmpi slt, %parallel_loop3A_49, %parallel_loop3A_55 : i32
      %parallel_loop3A_57 = arith.extui %parallel_loop3A_56 : i1 to i32
      %parallel_loop3A_58 = arith.subi %parallel_loop3A_54, %parallel_loop3A_57 : i32
      %parallel_loop3A_59 = arith.constant 0 : i32
      %parallel_loop3A_60 = arith.cmpi sgt, %parallel_loop3A_50, %parallel_loop3A_59 : i32
      %parallel_loop3A_61 = arith.extui %parallel_loop3A_60 : i1 to i32
      %parallel_loop3A_62 = arith.constant 0 : i32
      %parallel_loop3A_63 = arith.cmpi slt, %parallel_loop3A_50, %parallel_loop3A_62 : i32
      %parallel_loop3A_64 = arith.extui %parallel_loop3A_63 : i1 to i32
      %parallel_loop3A_65 = arith.subi %parallel_loop3A_61, %parallel_loop3A_64 : i32
      %parallel_loop3A_66 = arith.cmpi ne, %parallel_loop3A_58, %parallel_loop3A_65 : i32
      %parallel_loop3A_67 = arith.remsi %parallel_loop3A_49, %parallel_loop3A_50 : i32
      %parallel_loop3A_68 = arith.constant 0 : i32
      %parallel_loop3A_69 = arith.cmpi ne, %parallel_loop3A_67, %parallel_loop3A_68 : i32
      %parallel_loop3A_70 = arith.andi %parallel_loop3A_66, %parallel_loop3A_69 : i1
      %parallel_loop3A_71 = arith.constant 1 : i32
      %parallel_loop3A_72 = arith.subi %parallel_loop3A_51, %parallel_loop3A_71 : i32
      %parallel_loop3A_73 = arith.select %parallel_loop3A_70, %parallel_loop3A_72, %parallel_loop3A_51 : i32
      %parallel_loop3A_74 = arith.constant 8 : i32
      %parallel_loop3A_75 = arith.constant 0 : i32
      %parallel_loop3A_76 = arith.cmpi eq, %parallel_loop3A_74, %parallel_loop3A_75 : i32
      %parallel_loop3A_77 = arith.constant 1 : i32
      %parallel_loop3A_78 = arith.select %parallel_loop3A_76, %parallel_loop3A_77, %parallel_loop3A_74 : i32
      %parallel_loop3A_79 = arith.remsi %parallel_loop3A_49, %parallel_loop3A_78 : i32
      %parallel_loop3A_80 = arith.constant 0 : i32
      %parallel_loop3A_81 = arith.cmpi ne, %parallel_loop3A_79, %parallel_loop3A_80 : i32
      %parallel_loop3A_82 = arith.constant 0 : i32
      %parallel_loop3A_83 = arith.cmpi slt, %parallel_loop3A_79, %parallel_loop3A_82 : i32
      %parallel_loop3A_84 = arith.constant 0 : i32
      %parallel_loop3A_85 = arith.cmpi slt, %parallel_loop3A_78, %parallel_loop3A_84 : i32
      %parallel_loop3A_86 = arith.xori %parallel_loop3A_83, %parallel_loop3A_85 : i1
      %parallel_loop3A_87 = arith.andi %parallel_loop3A_86, %parallel_loop3A_81 : i1
      %parallel_loop3A_88 = arith.addi %parallel_loop3A_79, %parallel_loop3A_78 : i32
      %parallel_loop3A_89 = arith.select %parallel_loop3A_87, %parallel_loop3A_88, %parallel_loop3A_79 : i32
      %parallel_loop3A_90 = arith.constant 16 : i32
      %parallel_loop3A_91 = arith.muli %parallel_loop3A_89, %parallel_loop3A_90 : i32
      %parallel_loop3A_92 = arith.constant 0 : i32
      %parallel_loop3A_93 = arith.index_cast %parallel_loop3A_73 : i32 to index
      %parallel_loop3A_94 = arith.index_cast %parallel_loop3A_92 : i32 to index
      %parallel_loop3A_95 = arith.index_cast %parallel_loop3A_91 : i32 to index
      %parallel_loop3A_96 = tpu.vector_load %arg6[%parallel_loop3A_93, %parallel_loop3A_94, %parallel_loop3A_95] {strides = array<i32>} : memref<79x2x128xi32, #tpu.memory_space<vmem>>, vector<16xi32>,
      %parallel_loop3A_97 = arith.constant 16 : i32
      %parallel_loop3A_98 = arith.muli %parallel_loop3A_89, %parallel_loop3A_97 : i32
      %parallel_loop3A_99 = arith.constant 1 : i32
      %parallel_loop3A_100 = arith.index_cast %parallel_loop3A_73 : i32 to index
      %parallel_loop3A_101 = arith.index_cast %parallel_loop3A_99 : i32 to index
      %parallel_loop3A_102 = arith.index_cast %parallel_loop3A_98 : i32 to index
      %parallel_loop3A_103 = tpu.vector_load %arg6[%parallel_loop3A_100, %parallel_loop3A_101, %parallel_loop3A_102] {strides = array<i32>} : memref<79x2x128xi32, #tpu.memory_space<vmem>>, vector<16xi32>,
      %parallel_loop3A_104 = arith.constant 16 : i32
      %parallel_loop3A_105 = arith.muli %parallel_loop3A_49, %parallel_loop3A_104 : i32
      %parallel_loop3A_106 = tpu.vector_load_idx %arg5[%parallel_loop3A_96] : memref<60000xf32, #tpu.memory_space<vmem>>[vector<16xi32>], vector<16xf32>,
      %parallel_loop3A_107 = arith.constant 10000 : i32
      %parallel_loop3A_108 = vector.broadcast %parallel_loop3A_107 : i32 to vector<16xi32>
      %parallel_loop3A_109 = arith.addi %parallel_loop3A_96, %parallel_loop3A_108 : vector<16xi32>
      %parallel_loop3A_110 = tpu.vector_load_idx %arg5[%parallel_loop3A_109] : memref<60000xf32, #tpu.memory_space<vmem>>[vector<16xi32>], vector<16xf32>,
      %parallel_loop3A_111 = arith.constant 20000 : i32
      %parallel_loop3A_112 = vector.broadcast %parallel_loop3A_111 : i32 to vector<16xi32>
      %parallel_loop3A_113 = arith.addi %parallel_loop3A_96, %parallel_loop3A_112 : vector<16xi32>
      %parallel_loop3A_114 = tpu.vector_load_idx %arg5[%parallel_loop3A_113] : memref<60000xf32, #tpu.memory_space<vmem>>[vector<16xi32>], vector<16xf32>,
      %parallel_loop3A_115 = arith.constant 30000 : i32
      %parallel_loop3A_116 = vector.broadcast %parallel_loop3A_115 : i32 to vector<16xi32>
      %parallel_loop3A_117 = arith.addi %parallel_loop3A_103, %parallel_loop3A_116 : vector<16xi32>
      %parallel_loop3A_118 = tpu.vector_load_idx %arg5[%parallel_loop3A_117] : memref<60000xf32, #tpu.memory_space<vmem>>[vector<16xi32>], vector<16xf32>,
      %parallel_loop3A_119 = arith.constant 40000 : i32
      %parallel_loop3A_120 = vector.broadcast %parallel_loop3A_119 : i32 to vector<16xi32>
      %parallel_loop3A_121 = arith.addi %parallel_loop3A_103, %parallel_loop3A_120 : vector<16xi32>
      %parallel_loop3A_122 = tpu.vector_load_idx %arg5[%parallel_loop3A_121] : memref<60000xf32, #tpu.memory_space<vmem>>[vector<16xi32>], vector<16xf32>,
      %parallel_loop3A_123 = arith.constant 50000 : i32
      %parallel_loop3A_124 = vector.broadcast %parallel_loop3A_123 : i32 to vector<16xi32>
      %parallel_loop3A_125 = arith.addi %parallel_loop3A_103, %parallel_loop3A_124 : vector<16xi32>
      %parallel_loop3A_126 = tpu.vector_load_idx %arg5[%parallel_loop3A_125] : memref<60000xf32, #tpu.memory_space<vmem>>[vector<16xi32>], vector<16xf32>,
      %parallel_loop3A_127 = arith.addf %parallel_loop3A_106, %parallel_loop3A_118 : vector<16xf32>
      %parallel_loop3A_128 = arith.addf %parallel_loop3A_110, %parallel_loop3A_122 : vector<16xf32>
      %parallel_loop3A_129 = arith.addf %parallel_loop3A_114, %parallel_loop3A_126 : vector<16xf32>
      %parallel_loop3A_130 = arith.maximumf %parallel_loop3A_127, %parallel_loop3A_128 : vector<16xf32>
      %parallel_loop3A_131 = arith.maximumf %parallel_loop3A_130, %parallel_loop3A_129 : vector<16xf32>
      %parallel_loop3A_132 = arith.subf %parallel_loop3A_127, %parallel_loop3A_131 : vector<16xf32>
      %parallel_loop3A_133 = math.exp %parallel_loop3A_132 : vector<16xf32>
      %parallel_loop3A_134 = arith.subf %parallel_loop3A_128, %parallel_loop3A_131 : vector<16xf32>
      %parallel_loop3A_135 = math.exp %parallel_loop3A_134 : vector<16xf32>
      %parallel_loop3A_136 = arith.addf %parallel_loop3A_133, %parallel_loop3A_135 : vector<16xf32>
      %parallel_loop3A_137 = arith.subf %parallel_loop3A_129, %parallel_loop3A_131 : vector<16xf32>
      %parallel_loop3A_138 = math.exp %parallel_loop3A_137 : vector<16xf32>
      %parallel_loop3A_139 = arith.addf %parallel_loop3A_136, %parallel_loop3A_138 : vector<16xf32>
      %parallel_loop3A_140 = arith.constant -0.00383275677 : f32
      %parallel_loop3A_141 = vector.broadcast %parallel_loop3A_140 : f32 to vector<16xf32>
      %parallel_loop3A_142 = arith.mulf %parallel_loop3A_141, %parallel_loop3A_139 : vector<16xf32>
      %parallel_loop3A_143 = arith.constant 0.0545854643 : f32
      %parallel_loop3A_144 = vector.broadcast %parallel_loop3A_143 : f32 to vector<16xf32>
      %parallel_loop3A_145 = arith.addf %parallel_loop3A_142, %parallel_loop3A_144 : vector<16xf32>
      %parallel_loop3A_146 = arith.mulf %parallel_loop3A_145, %parallel_loop3A_139 : vector<16xf32>
      %parallel_loop3A_147 = arith.constant -0.330735922 : f32
      %parallel_loop3A_148 = vector.broadcast %parallel_loop3A_147 : f32 to vector<16xf32>
      %parallel_loop3A_149 = arith.addf %parallel_loop3A_146, %parallel_loop3A_148 : vector<16xf32>
      %parallel_loop3A_150 = arith.mulf %parallel_loop3A_149, %parallel_loop3A_139 : vector<16xf32>
      %parallel_loop3A_151 = arith.constant 1.11621952 : f32
      %parallel_loop3A_152 = vector.broadcast %parallel_loop3A_151 : f32 to vector<16xf32>
      %parallel_loop3A_153 = arith.addf %parallel_loop3A_150, %parallel_loop3A_152 : vector<16xf32>
      %parallel_loop3A_154 = arith.mulf %parallel_loop3A_153, %parallel_loop3A_139 : vector<16xf32>
      %parallel_loop3A_155 = arith.constant -2.33177948 : f32
      %parallel_loop3A_156 = vector.broadcast %parallel_loop3A_155 : f32 to vector<16xf32>
      %parallel_loop3A_157 = arith.addf %parallel_loop3A_154, %parallel_loop3A_156 : vector<16xf32>
      %parallel_loop3A_158 = arith.mulf %parallel_loop3A_157, %parallel_loop3A_139 : vector<16xf32>
      %parallel_loop3A_159 = arith.constant 3.38521814 : f32
      %parallel_loop3A_160 = vector.broadcast %parallel_loop3A_159 : f32 to vector<16xf32>
      %parallel_loop3A_161 = arith.addf %parallel_loop3A_158, %parallel_loop3A_160 : vector<16xf32>
      %parallel_loop3A_162 = arith.mulf %parallel_loop3A_161, %parallel_loop3A_139 : vector<16xf32>
      %parallel_loop3A_163 = arith.constant -1.88958776 : f32
      %parallel_loop3A_164 = vector.broadcast %parallel_loop3A_163 : f32 to vector<16xf32>
      %parallel_loop3A_165 = arith.addf %parallel_loop3A_162, %parallel_loop3A_164 : vector<16xf32>
      %parallel_loop3A_166 = arith.addf %parallel_loop3A_131, %parallel_loop3A_165 : vector<16xf32>
      %parallel_loop3A_167 = arith.subf %parallel_loop3A_127, %parallel_loop3A_166 : vector<16xf32>
      %parallel_loop3A_168 = arith.constant 0 : i32
      %parallel_loop3A_169 = arith.index_cast %parallel_loop3A_168 : i32 to index
      %parallel_loop3A_170 = arith.index_cast %parallel_loop3A_105 : i32 to index
      %parallel_loop3A_171 = tpu.vector_load %arg7[%parallel_loop3A_169, %parallel_loop3A_170] {strides = array<i32>} : memref<3x10112xf32, #tpu.memory_space<vmem>>, vector<16xf32>,
      tpu.vector_store %arg7[%parallel_loop3A_169, %parallel_loop3A_170], %parallel_loop3A_167 {strides = array<i32>} : memref<3x10112xf32, #tpu.memory_space<vmem>>, vector<16xf32>,
      %parallel_loop3A_172 = arith.subf %parallel_loop3A_128, %parallel_loop3A_166 : vector<16xf32>
      %parallel_loop3A_173 = arith.constant 1 : i32
      %parallel_loop3A_174 = arith.index_cast %parallel_loop3A_173 : i32 to index
      %parallel_loop3A_175 = arith.index_cast %parallel_loop3A_105 : i32 to index
      %parallel_loop3A_176 = tpu.vector_load %arg7[%parallel_loop3A_174, %parallel_loop3A_175] {strides = array<i32>} : memref<3x10112xf32, #tpu.memory_space<vmem>>, vector<16xf32>,
      tpu.vector_store %arg7[%parallel_loop3A_174, %parallel_loop3A_175], %parallel_loop3A_172 {strides = array<i32>} : memref<3x10112xf32, #tpu.memory_space<vmem>>, vector<16xf32>,
      %parallel_loop3A_177 = arith.subf %parallel_loop3A_129, %parallel_loop3A_166 : vector<16xf32>
      %parallel_loop3A_178 = arith.constant 2 : i32
      %parallel_loop3A_179 = arith.index_cast %parallel_loop3A_178 : i32 to index
      %parallel_loop3A_180 = arith.index_cast %parallel_loop3A_105 : i32 to index
      %parallel_loop3A_181 = tpu.vector_load %arg7[%parallel_loop3A_179, %parallel_loop3A_180] {strides = array<i32>} : memref<3x10112xf32, #tpu.memory_space<vmem>>, vector<16xf32>,
      tpu.vector_store %arg7[%parallel_loop3A_179, %parallel_loop3A_180], %parallel_loop3A_177 {strides = array<i32>} : memref<3x10112xf32, #tpu.memory_space<vmem>>, vector<16xf32>,
    } {sc.loop_unroll_factor = 6 : i64, sc.parallel_access}
    %mul3A_39 = arith.constant 128 : i32
    %mul3A_40 = arith.muli %select_n3A, %mul3A_39 : i32
    %dma_start3A_41 = arith.constant 0 : i32
    %dma_start3A_42 = tpu.memref_slice %arg4[%dma_start3A_41, %mul3A_40] : memref<3x320000xf32, #tpu.memory_space<hbm>> -> memref<3x10112xf32, #tpu.memory_space<hbm>>
    %dma_start3A_43 = arith.constant 0 : i32
    %dma_start3A_44 = tpu.memref_slice %arg4[%dma_start3A_43, %mul3A_40] : memref<3x320000xf32, #tpu.memory_space<hbm>> -> memref<3x10112xf32, #tpu.memory_space<hbm>>
    tpu.enqueue_dma source(%arg7 : memref<3x10112xf32, #tpu.memory_space<vmem>>) target(%dma_start3A_44 : memref<3x10112xf32, #tpu.memory_space<hbm>>) target_semaphore(%arg9 : memref<!tpu.dma_semaphore, #tpu.memory_space<semaphore_mem>>)
    %dma_wait3A_45 = arith.constant 0 : i32
    %dma_wait3A_46 = tpu.memref_slice %arg4[%dma_wait3A_45, %mul3A_40] : memref<3x320000xf32, #tpu.memory_space<hbm>> -> memref<3x10112xf32, #tpu.memory_space<hbm>>
    %dma_wait3A_47 = arith.constant 0 : i32
    %dma_wait3A_48 = tpu.memref_slice %arg4[%dma_wait3A_47, %mul3A_40] : memref<3x320000xf32, #tpu.memory_space<hbm>> -> memref<3x10112xf32, #tpu.memory_space<hbm>>
    tpu.wait_dma2 semaphore(%arg9 : memref<!tpu.dma_semaphore, #tpu.memory_space<semaphore_mem>>) src(%arg7 : memref<3x10112xf32, #tpu.memory_space<vmem>>) dst(%dma_wait3A_48 : memref<3x10112xf32, #tpu.memory_space<hbm>>)
    return
  }
}

module attributes {stable_mosaic.version = 14 : i64} {
  func.func @_proj_body(%arg0: memref<3x256xf32, #tpu.memory_space<vmem>>, %arg1: memref<10000x128xf32, #tpu.memory_space<vmem>>, %arg2: memref<3xf32, #tpu.memory_space<vmem>>, %arg3: memref<8x10000xf32, #tpu.memory_space<vmem>>) attributes {dimension_semantics = [], scalar_prefetch = 0 : i64, scratch_operands = 0 : i64, tpu.core_type = #tpu.core_type<tc>} {
    %get3A = arith.constant 0 : index
    %get3A_0 = arith.constant 0 : index
    %get3A_1 = vector.load %arg0[%get3A, %get3A_0] : memref<3x256xf32, #tpu.memory_space<vmem>>, vector<3x256xf32>
    %get3A_2 = arith.constant 0 : index
    %get3A_3 = arith.constant 0 : index
    %get3A_4 = vector.load %arg1[%get3A_2, %get3A_3] : memref<10000x128xf32, #tpu.memory_space<vmem>>, vector<10000x128xf32>
    %slice3A = vector.extract_strided_slice %get3A_1 {offsets = [0, 0], sizes = [3, 128], strides = [1, 1]} : vector<3x256xf32> to vector<3x128xf32>
    %dot_general3A = arith.constant dense<0.000000e+00> : vector<3x10000xf32>
    %dot_general3A_5 = tpu.matmul %slice3A, %get3A_4, %dot_general3A {dimension_numbers = #tpu.dot_dimension_numbers<[1], [1], [0], [0], [0, 0, 1, 0], [], []>, transpose_lhs_hint = false} : vector<3x128xf32>, vector<10000x128xf32>, vector<3x10000xf32> -> vector<3x10000xf32>
    %slice3A_6 = vector.extract_strided_slice %get3A_1 {offsets = [0, 128], sizes = [3, 128], strides = [1, 1]} : vector<3x256xf32> to vector<3x128xf32>
    %dot_general3A_7 = arith.constant dense<0.000000e+00> : vector<3x10000xf32>
    %dot_general3A_8 = tpu.matmul %slice3A_6, %get3A_4, %dot_general3A_7 {dimension_numbers = #tpu.dot_dimension_numbers<[1], [1], [0], [0], [0, 0, 1, 0], [], []>, transpose_lhs_hint = false} : vector<3x128xf32>, vector<10000x128xf32>, vector<3x10000xf32> -> vector<3x10000xf32>
    %get3A_9 = arith.constant 0 : index
    %get3A_10 = vector.load %arg2[%get3A_9] : memref<3xf32, #tpu.memory_space<vmem>>, vector<3xf32>
    %broadcast_in_dim3A = vector.shape_cast %get3A_10 : vector<3xf32> to vector<3x1xf32>
    %add3A = vector.broadcast %broadcast_in_dim3A : vector<3x1xf32> to vector<3x10000xf32>
    %add3A_11 = arith.addf %dot_general3A_5, %add3A : vector<3x10000xf32>
    %broadcast_in_dim3A_12 = arith.constant 0.000000e+00 : f32
    %broadcast_in_dim3A_13 = vector.broadcast %broadcast_in_dim3A_12 : f32 to vector<2x10000xf32>
    %concatenate3A = tpu.concatenate %add3A_11, %dot_general3A_8, %broadcast_in_dim3A_13 in 0 : vector<3x10000xf32>, vector<3x10000xf32>, vector<2x10000xf32> -> vector<8x10000xf32>
    %swap3A = arith.constant 0 : index
    %swap3A_14 = arith.constant 0 : index
    %swap3A_15 = vector.load %arg3[%swap3A, %swap3A_14] : memref<8x10000xf32, #tpu.memory_space<vmem>>, vector<8x10000xf32>
    tpu.vector_store %arg3[%swap3A, %swap3A_14], %concatenate3A {strides = array<i32>} : memref<8x10000xf32, #tpu.memory_space<vmem>>, vector<8x10000xf32>,
    return
  }
}

</mosaic_0001>

<sc_bundles>
// kernel: kernel.4.cloned.1.call-start
scs
__scs_entry_jumppad:
0x0: {  	(pc) =	sbr.rel $0x88, $3  }
0x1: {  	(tag) =	ssettag $0x0;
	lr =	simm.s32 $0x1  }
0x2: {  	[smem:$0x3F9D] =	sst lr;
	_ =	strace $0xD0000000  }
0x3: {  	_ = 	snop  }
0x4: {  	_ = 	snop  }
0x5: {  	_ = 	snop  }
0x6: {  	_ = 	snop  }
0x7: {  	_ = 	snop  }
__scs_overlays_trampoline_lowered:
0x8: {  	[smem:$0x3FAC] =	sst s0  }
0x9: {  	[smem:$0x3FAD] =	sst s1  }
0xa: {  	[smem:$0x3FAE] =	sst s2  }
0xb: {  	[smem:$0x3FAF] =	sst s3  }
0xc: {  	[smem:$0x3FB0] =	sst s4  }
0xd: {  	[smem:$0x3FB1] =	sst s5  }
0xe: {  	[smem:$0x3FB2] =	sst s6  }
0xf: {  	[smem:$0x3FB3] =	sst s7  }
0x10: {  	[smem:$0x3FB4] =	sst s8  }
0x11: {  	[smem:$0x3FB5] =	sst s9;
	s0 =	simm.s32 @!p0 $0x0  }
0x12: {  	s1 =	sld [smem:$0x3F9B];
	s0 =	simm.s32 @p0 $0x1  }
0x13: {  	[smem:$0x3FB6] =	sst s0;
	s0 =	simm.s32 @!p1 $0x0  }
0x14: {  	s2 =	sld [smem:$0x3F9A];
	s0 =	simm.s32 @p1 $0x1  }
0x15: {  	[smem:$0x3FB7] =	sst s0;
	s0 =	simm.s32 @!p2 $0x0  }
0x16: {  	s3 =	sld [smem:$0x3FDB];
	s0 =	simm.s32 @p2 $0x1  }
0x17: {  	s4 =	simm.s32 $0x1BF5;
	[smem:$0x3FB9] =	sst s0  }
0x18: {  	s0 =	sld [smem:$0x3F9C];
	_ =	swait.ge [sflag:s4], $0x0  }
0x19: {  	s7 =	sld [smem:$0x3F9D]  }
0x1a: {  	s8 =	sadd.s32 $0xFFFFE003, lr  }
0x1b: {  	s9 =	sadd.s32 $0xFFFFFEF7, lr;
	s5 =	simm.s32 $0xFFFFFFFF;
	p2 =	slt.u32 s8, $0xFFFFF086  }
0x1c: {  	p1 =	slt.u32 s9, $0xF7A;
	s5 =	simm.s32 @!p2 $0x0  }
0x1d: {  	s5 =	simm.s32 @p1 $0x1;
	p0 =	seq.s32 s7, s2  }
0x1e: {  	s7 =	smul.u32 @!p0 $0xF7A, s2;
	p2 =	seq.s32 @!p0 s5, $0x0  }
0x1f: {  	s9 =	smul.u32 $0xF7A, s1;
	s8 =	simm.s32 @!p0 $0x1BF5;
	p2 =	por !p2, p0  }
0x20: {  	[sflag:s8] =	ssyncset.s32 @!p0 $0xFFFFF086;
	s6 =	sadd.s32 @!p0 s3, s7;
	s7 =	simm.s32 @!p0 $0x108  }
0x21: {  	s3 =	sadd.s32 s3, s9;
	s6 =	sadd.s32 @!p0 $0x88, s6;
	s7 =	simm.s32 @p2 $0x1082  }
0x22: {  	[simem:s7], [sflag:s8] =	dma.local @!p0 [hbm:s6], $0xF7A  }
0x23: {  	s9 =	sor.u32 $0xD0000000, s2;
	s6 =	simm.s32 $0x108;
	_ =	swait.ge @!p0 [sflag:s8], $0x0  }
0x24: {  	s3 =	sadd.s32 $0x88, s3;
	s6 =	simm.s32 @!p1 $0x1082;
	[sflag:s4] =	ssyncset.s32 $0xFFFFF086  }
0x25: {  	[simem:s6], [sflag:s4] =	dma.local [hbm:s3], $0xF7A  }
0x26: {  	[smem:$0x3F9D] =	sst s1;
	(tag) =	ssettag s2;
	_ =	strace s9  }
0x27: {  	s1 =	sld [smem:$0x3FAD]  }
0x28: {  	s2 =	sld [smem:$0x3FAE]  }
0x29: {  	s4 =	sld [smem:$0x3FB0]  }
0x2a: {  	p0 =	seq.s32 s5, $0x0;
	s5 =	sld [smem:$0x3FB1]  }
0x2b: {  	s6 =	sld [smem:$0x3FB2]  }
0x2c: {  	s7 =	sld [smem:$0x3FB3]  }
0x2d: {  	s3 =	simm.s32 $0x108;
	s8 =	sld [smem:$0x3FB4]  }
0x2e: {  	s3 =	simm.s32 @!p0 $0x1082;
	s9 =	sld [smem:$0x3FB5]  }
0x2f: {  	lr =	sadd.s32 s0, s3;
	s0 =	sld [smem:$0x3FAC]  }
0x30: {  	s3 =	sld [smem:$0x3FAF]  }
0x31: {  	[smem:$0x3FB8] =	sst s10  }
0x32: {  	s10 =	sld [smem:$0x3FB6];
	_ =	sdelay $0x3  }
0x33: {  	p0 =	seq.s32 s10, $0x1;
	s10 =	sld [smem:$0x3FB8];
	_ =	sdelay $0x3  }
0x34: {  	[smem:$0x3FB8] =	sst s10  }
0x35: {  	s10 =	sld [smem:$0x3FB7];
	_ =	sdelay $0x3  }
0x36: {  	p1 =	seq.s32 s10, $0x1;
	s10 =	sld [smem:$0x3FB8];
	_ =	sdelay $0x3  }
0x37: {  	[smem:$0x3FB8] =	sst s10  }
0x38: {  	s10 =	sld [smem:$0x3FB9]  }
0x39: {  	_ = 	snop;
	(pc) =	sbr.ind lr, $3  }
0x3a: {  	_ = 	snop  }
0x3b: {  	_ = 	snop  }
0x3c: {  	p2 =	seq.s32 s10, $0x1;
	s10 =	sld [smem:$0x3FB8]  }
0x3d: {  	_ =	shalt  }
0x3e: {  	_ =	shalt  }
0x3f: {  	_ =	shalt  }
0x40: {  	_ =	shalt  }
0x41: {  	_ =	shalt  }
0x42: {  	_ =	shalt  }
0x43: {  	_ =	shalt  }
0x44: {  	_ =	shalt  }
0x45: {  	_ =	shalt  }
0x46: {  	_ =	shalt  }
0x47: {  	_ =	shalt  }
0x48: {  	_ =	shalt  }
0x49: {  	_ =	shalt  }
0x4a: {  	_ =	shalt  }
0x4b: {  	_ =	shalt  }
0x4c: {  	_ =	shalt  }
0x4d: {  	_ =	shalt  }
0x4e: {  	_ =	shalt  }
0x4f: {  	_ =	shalt  }
0x50: {  	_ =	shalt  }
0x51: {  	_ =	shalt  }
0x52: {  	_ =	shalt  }
0x53: {  	_ =	shalt  }
0x54: {  	_ =	shalt  }
0x55: {  	_ =	shalt  }
0x56: {  	_ =	shalt  }
0x57: {  	_ =	shalt  }
0x58: {  	_ =	shalt  }
0x59: {  	_ =	shalt  }
0x5a: {  	_ =	shalt  }
0x5b: {  	_ =	shalt  }
0x5c: {  	_ =	shalt  }
0x5d: {  	_ =	shalt  }
0x5e: {  	_ =	shalt  }
0x5f: {  	_ =	shalt  }
0x60: {  	_ =	shalt  }
0x61: {  	_ =	shalt  }
0x62: {  	_ =	shalt  }
0x63: {  	_ =	shalt  }
0x64: {  	_ =	shalt  }
0x65: {  	_ =	shalt  }
0x66: {  	_ =	shalt  }
0x67: {  	_ =	shalt  }
0x68: {  	_ =	shalt  }
0x69: {  	_ =	shalt  }
0x6a: {  	_ =	shalt  }
0x6b: {  	_ =	shalt  }
0x6c: {  	_ =	shalt  }
0x6d: {  	_ =	shalt  }
0x6e: {  	_ =	shalt  }
0x6f: {  	_ =	shalt  }
0x70: {  	_ =	shalt  }
0x71: {  	_ =	shalt  }
0x72: {  	_ =	shalt  }
0x73: {  	_ =	shalt  }
0x74: {  	_ =	shalt  }
0x75: {  	_ =	shalt  }
0x76: {  	_ =	shalt  }
0x77: {  	_ =	shalt  }
0x78: {  	_ =	shalt  }
0x79: {  	_ =	shalt  }
0x7a: {  	_ =	shalt  }
0x7b: {  	_ =	shalt  }
0x7c: {  	_ =	shalt  }
0x7d: {  	_ =	shalt  }
0x7e: {  	_ =	shalt  }
0x7f: {  	_ =	shalt  }
0x80: {  	_ =	shalt  }
0x81: {  	_ =	shalt  }
0x82: {  	_ =	shalt  }
0x83: {  	_ =	shalt  }
0x84: {  	_ =	shalt  }
0x85: {  	_ =	shalt  }
0x86: {  	_ =	shalt  }
0x87: {  	_ =	shalt  }
.Lfunc_end0:
.L_simem_size_0:
called_computation_lowered:
.L_overlay_start_0:
0x88: {  	s2 =	sld [smem:$0x3FD9]  }
0x89: {  	s3 =	sld [smem:$0x3FFE];
	_ =	sdelay $0x1  }
0x8a: {  	s1 =	srdreg.scid  }
0x8b: {  	s0 =	sand.u32 $0x1, s1  }
0x8c: {  	s17 =	sshll.u32 s0, $0xA;
	s2 =	sadd.s32 s3, s2  }
0x8d: {  	s2 =	sadd.s32 s2, s17  }
0x8e: {  	[smem:$0x3FC4] =	sst s2  }
0x8f: {  	_ = 	snop  }
0x90: {  	s2 =	sld [smem:$0x3FC8]  }
0x91: {  	s18 =	sld [smem:$0x3FD0];
	(tm) =	ssettm $0x1  }
0x92: {  	s4 =	sld [smem:$0x3FFB];
	_ =	sdelay $0x3  }
0x93: {  	_ =	strace s4  }
0x94: {  	s4 =	sld [smem:$0x3FFC];
	_ =	sdelay $0x3  }
0x95: {  	_ =	strace s4  }
0x96: {  	s4 =	sld [smem:$0x3FFD];
	_ =	sdelay $0x3  }
0x97: {  	_ =	strace s4  }
0x98: {  	_ =	strace $0x8FFFFFFF  }
0x99: {  	s19 =	sld [smem:$0x3FDB];
	_ =	sdelay $0x1  }
0x9a: {  	s5 =	simm.s32 $_scs_section_size  }
0x9b: {  	s6 =	simm.s32 $_size__tile_overlayer_lowered;
	s7 =	simm.s32 $_tile_overlayer_lowered  }
0x9c: {  	s22 =	simm.s32 $0x1BFF;
	s21 =	sshll.u32 s7, $0x1;
	s4 =	sadd.s32 s5, s19  }
0x9d: {  	s8 =	simm.s32 $0x0;
	s20 =	sshll.u32 s6, $0x1;
	s6 =	sadd.s32 s21, s4  }
0x9e: {  	[timem:s8], [sflag:s22] =	dma.local [hbm:s6], s20  }
0x9f: {  	_ =	swait.ge [sflag:s22], s20  }
0xa0: {  	s5 =	ssub.s32 $0x0, s20;
	[sflag:s22] =	ssyncset.done $0x0  }
0xa1: {  	[sflag:s22] =	ssyncadd.s32 s5;
	_ =	sdelay $0x1  }
0xa2: {  	s23 =	simm.s32 $0x1B8B  }
0xa3: {  	_ =	swait.ge [sflag:s23], $0x1  }
0xa4: {  	[sflag:s23] =	ssyncset.done $0x0  }
0xa5: {  	s25 =	simm.s32 $0x1B8E;
	s24 =	sld [smem:$0x3FFE];
	[sflag:s23] =	ssyncadd.s32 $0xFFFFFFFF  }
0xa6: {  	s26 =	simm.s32 $execute0_lowered;
	[smem:$0x3FD2] =	sst s25  }
0xa7: {  	s6 =	sshll.u32 s26, $0x1;
	_ =	strace $0x80000046;
	[dreg:$0x1] =	wrdreg $0xFFFFFFFF  }
0xa8: {  	s28 =	simm.s32 $_size_execute0_lowered;
	s4 =	sadd.s32 s4, s6;
	[dreg:$0x0] =	wrdreg $0x0  }
0xa9: {  	s6 =	sshll.u32 s28, $0x1;
	[dreg:$0x2] =	wrdreg s4  }
0xaa: {  	[dreg:$0x3] =	wrdreg s6  }
0xab: {  	[dreg:$0x4] =	wrdreg $0xC0  }
0xac: {  	_ =	task [dreg:s8], $0x5FFFF  }
0xad: {  	[dreg:$0x1] =	wrdreg $0xFFFFFFFF  }
0xae: {  	[dreg:$0x0] =	wrdreg $0x60  }
0xaf: {  	[dreg:$0x2] =	wrdreg s24  }
0xb0: {  	[dreg:$0x3] =	wrdreg s2  }
0xb1: {  	[dreg:$0x4] =	wrdreg s18  }
0xb2: {  	[dreg:$0x5] =	wrdreg $0x9  }
0xb3: {  	_ =	task.clear_ibuf [dreg:s8], $0x6FFFF;
	_ =	strace $0x90000046  }
0xb4: {  	s29 =	simm.s32 $0x9;
	_ =	strace $0x80000048  }
0xb5: {  	_ =	swait.ge [sflag:s29], $0x1  }
0xb6: {  	[sflag:s29] =	ssyncadd.s32 $0xFFFFFFFF  }
0xb7: {  	_ =	strace $0x90000048  }
0xb8: {  	_ =	sfence  }
0xb9: {  	s30 =	sld [smem:$0x0];
	_ =	sdelay $0x2  }
0xba: {  	s31 =	sshll.u32 s1, $0xD;
	s1 =	sshrl.u32 s1, $0x2  }
0xbb: {  	s3 =	sand.u32 $0x4000, s31;
	s1 =	sadd.s32 s1, s30  }
0xbc: {  	s0 =	sor.u32 s3, s0;
	s1 =	sshll.u32 s1, $0x11  }
0xbd: {  	s0 =	sor.u32 s1, s0  }
0xbe: {  	s0 =	sadd.s32 $0x8F2B, s0  }
0xbf: {  	[sflag:s0] =	ssyncadd.remote.s32 $0x1  }
0xc0: {  	_ =	sfence.sel $0xFFFF  }
0xc1: {  	[dreg:$0x0] =	wrdreg $0xFFFFFFFF;
	(pc) =	sbr.abs _section_cstart, $3  }
0xc2: {  	[dreg:$0x1] =	wrdreg $0xFFFFFFFF  }
0xc3: {  	_ =	task.clear_ibuf [dreg:s8], $0x2FFFF;
	_ =	strace $0x9FFFFFFF  }
0xc4: {  	(tm) =	ssettm $0x7FFFFFFF  }
0xc5: {  	_ =	shalt  }
tec
execute0_lowered:
.L_overlay_start_1:
0x0: {  	(tag) =	ssettag $0x1  }
0x1: {  	s0 =	srdreg.scid;
	s2 =	stileid.u32  }
0x2: {  	s0 =	sand.u32 $0x1, s0;
	s2 =	sshll.u32 s2, $0x1  }
0x3: {  	s1 =	rddreg [dreg:$0x0];
	s2 =	sor.u32 s0, s2  }
0x4: {  	s3 =	rddreg [dreg:$0x1];
	s5 =	smul.u32 $0x975, s2  }
0x5: {  	s4 =	rddreg [dreg:$0x2];
	s0 =	ssub.s32 $0x2, s0;
	s2 =	simm.s32 $0x0  }
0x6: {  	s29 =	sshrl.u32 s0, $0x1;
	[smem:$0x7FF] =	sst s2;
	s5 =	smulhi.u32 $0x8421085, s5  }
0x7: {  	s1 =	sadd.s32 $0xA00, s1;
	s0 =	ssub.s32 s0, s29;
	_ =	strace $0x80000047  }
0x8: {  	[dreg:$0x7] =	wrdreg s1;
	s0 =	smax.u32 s0, $0x1;
	s6 =	sshll.u32 s5, $0x5  }
0x9: {  	[dreg:$0xa] =	wrdreg s0;
	s5 =	sshll.u32 s5, $0x6;
	s30 =	sadd.s32 s3, s6  }
0xa: {  	s31 =	sadd.s32 s4, s5;
	[dreg:$0x8] =	wrdreg s30  }
0xb: {  	s1 =	simm.s32 $0x0;
	s3 =	simm.s32 $0x2;
	[dreg:$0x9] =	wrdreg s31  }
.LBB2_1:
0xc: {  	[dreg:$0xb] =	wrdreg s1  }
0xd: {  	s0 =	rddreg [dreg:$0x7]  }
0xe: {  	[tilespmem:s2], [sflag:$0x1] =	stream.linear.gather [hbm4b:s0+s2], $0xEA60, $0x38;
	[tilespmem:$0x1D780] =	vst v63  }
0xf: {  	s10 =	rddreg [dreg:$0x8];
	s11 =	simm.s32 $0xEA80;
	s12 =	simm.s32 $0x1  }
0x10: {  	[tilespmem:s11], [sflag:$0x2] =	stream.linear.gather [hbm4b:s10+s2], $0x4F00, $0x38;
	[tilespmem:$0x1D780] =	vst v63  }
0x11: {  	_ =	swait.ge [sflag:s12], $0xEA60  }
0x12: {  	[sflag:s12] =	ssyncset.done $0x0  }
0x13: {  	s13 =	simm.s32 $0x0;
	s14 =	simm.s32 $0x0;
	[sflag:s12] =	ssyncadd.s32 $0xFFFF15A0  }
0x14: {  	s16 =	sand.u32 $0x60, s13;
	s15 =	sand.u32 $0x7F00, s14;
	_ =	swait.ge [sflag:s3], $0x4F00  }
0x15: {  	s0 =	sadd.s32 $0xEA80, s15;
	s15 =	sor.u32 $0x10, s16;
	[sflag:s3] =	ssyncset.done $0x0  }
0x16: {  	s17 =	sor.u32 s15, s0;
	[sflag:s3] =	ssyncadd.s32 $0xFFFFB100  }
0x17: {  	v0 =	vld [tilespmem:s17+$0x0]  }
0x18: {  	s18 =	simm.s32 $0x20;
	s19 =	simm.s32 $0x40;
	s0 =	sor.u32 s16, s0;
	v1 =	vld [tilespmem:s17+$0x80]  }
0x19: {  	s20 =	sand.u32 $0xFF00, s19;
	s17 =	sand.u32 $0x60, s18;
	v2 =	vld [tilespmem:s0+$0x0]  }
0x1a: {  	s21 =	simm.s32 $0x30;
	s4 =	simm.s32 $0x60;
	v3 =	vld [tilespmem:s0+$0x80];
	s1 =	sor.u32 s17, s20  }
0x1b: {  	s22 =	sand.u32 $0xFF00, s4;
	s18 =	sand.u32 $0x70, s21;
	v6 =	vld [tilespmem:s1+$0xEA80]  }
0x1c: {  	s23 =	simm.s32 $0x40;
	s24 =	simm.s32 $0x80;
	s0 =	sor.u32 s18, s22;
	v8 =	vld [tilespmem:s1+$0xEB00]  }
0x1d: {  	s19 =	sand.u32 $0x60, s23;
	s25 =	sand.u32 $0xFF00, s24;
	v10 =	vld [tilespmem:s0+$0xEA80]  }
0x1e: {  	s26 =	simm.s32 $0xA0;
	s31 =	simm.s32 $0x50;
	s1 =	sor.u32 s19, s25;
	v15 =	vld [tilespmem:s0+$0xEB00];
	v4 =	vadd.s32 $0x4E20, v0  }
0x1f: {  	s5 =	sand.u32 $0xFF00, s26;
	s21 =	sand.u32 $0x70, s31;
	v18 =	vld [tilespmem:s1+$0xEA80];
	v5 =	vadd.s32 $0x2710, v0  }
0x20: {  	s0 =	sor.u32 s21, s5;
	v20 =	vld [tilespmem:s1+$0xEB00];
	v7 =	vadd.s32 $0x7530, v1  }
0x21: {  	v22 =	vld [tilespmem:s0+$0xEA80];
	v9 =	vadd.s32 $0x9C40, v1  }
0x22: {  	v1 =	vadd.s32 $0xC350, v1;
	v0 =	vld.idx.msk [tilespmem:v0+s2+$0x0], $0xffff  }
0x23: {  	v4 =	vld.idx.msk [tilespmem:v4+s2+$0x0], $0xffff  }
0x24: {  	v5 =	vld.idx.msk [tilespmem:v5+s2+$0x0], $0xffff  }
0x25: {  	v12 =	vadd.s32 $0x2710, v2;
	v7 =	vld.idx.msk [tilespmem:v7+s2+$0x0], $0xffff  }
0x26: {  	v16 =	vadd.s32 $0x7530, v3;
	v9 =	vld.idx.msk [tilespmem:v9+s2+$0x0], $0xffff  }
0x27: {  	v19 =	vadd.s32 $0x9C40, v3;
	v1 =	vld.idx.msk [tilespmem:v1+s2+$0x0], $0xffff  }
0x28: {  	v46 =	vld [tilespmem:s0+$0xEB00]  }
0x29: {  	v29 =	vld.idx.msk [tilespmem:v2+s2+$0x0], $0xffff  }
0x2a: {  	v3 =	vadd.s32 $0xC350, v3;
	v48 =	vld.idx.msk [tilespmem:v12+s2+$0x0], $0xffff  }
0x2b: {  	v12 =	vld.idx.msk [tilespmem:v16+s2+$0x0], $0xffff;
	v13 =	vadd.f32 v7, v0;
	v40 =	vadd.f32 v9, v5  }
0x2c: {  	v16 =	vld.idx.msk [tilespmem:v19+s2+$0x0], $0xffff;
	v14 =	vadd.f32 v1, v4  }
0x2d: {  	v21 =	vadd.s32 $0x2710, v6;
	v31 =	vld.idx.msk [tilespmem:v6+s2+$0x0], $0xffff;
	v7 =	vmax.f32 v13, v40  }
0x2e: {  	v45 =	vadd.s32 $0x7530, v8;
	v23 =	vadd.s32 $0x9C40, v15;
	v33 =	vld.idx.msk [tilespmem:v10+s2+$0x0], $0xffff;
	v17 =	vmax.f32 v7, v14  }
0x2f: {  	v47 =	vadd.s32 $0x9C40, v8;
	v8 =	vadd.s32 $0xC350, v8;
	v3 =	vld.idx.msk [tilespmem:v3+s2+$0x0], $0xffff;
	v19 =	vsub.f32 v13, v17  }
0x30: {  	v25 =	vadd.s32 $0x2710, v18;
	v49 =	vld.idx.msk [tilespmem:v18+s2+$0x0], $0xffff;
	v24 =	vsub.f32 v40, v17  }
0x31: {  	v26 =	vadd.s32 $0x7530, v20;
	v35 =	vld.idx.msk [tilespmem:v22+s2+$0x0], $0xffff;
	v19 =	vmul.f32 $1.442695020e+00, v19  }
0x32: {  	v28 =	vadd.s32 $0x9C40, v20;
	v21 =	vld.idx.msk [tilespmem:v21+s2+$0x0], $0xffff;
	v27 =	vsub.f32 v14, v17;
	v24 =	vmul.f32 $1.442695020e+00, v24  }
0x33: {  	v2 =	vadd.s32 $0x4E20, v2;
	v23 =	vld.idx.msk [tilespmem:v23+s2+$0x0], $0xffff;
	(erf) = vpow2.f32 v19  }
0x34: {  	v8 =	vld.idx.msk [tilespmem:v8+s2+$0x0], $0xffff;
	v19 =	vmul.f32 $1.442695020e+00, v27;
	(erf) = vpow2.f32 v24  }
0x35: {  	v25 =	vld.idx.msk [tilespmem:v25+s2+$0x0], $0xffff  }
0x36: {  	v26 =	vld.idx.msk [tilespmem:v26+s2+$0x0], $0xffff;
	v9 =	vadd.s32 $0x2710, v10;
	(erf) = vpow2.f32 v19  }
0x37: {  	v28 =	vld.idx.msk [tilespmem:v28+s2+$0x0], $0xffff;
	v7 =	vadd.s32 $0x7530, v15  }
0x38: {  	v50 =	vld.idx.msk [tilespmem:v2+s2+$0x0], $0xffff;
	v24 =	vadd.s32 $0x2710, v22  }
0x39: {  	v0 =	vld.idx.msk [tilespmem:v45+s2+$0x0], $0xffff;
	v19 =	vadd.s32 $0x9C40, v46  }
0x3a: {  	v20 =	vadd.s32 $0xC350, v20;
	v1 =	vld.idx.msk [tilespmem:v47+s2+$0x0], $0xffff  }
0x3b: {  	v6 =	vadd.s32 $0x4E20, v6;
	v9 =	vld.idx.msk [tilespmem:v9+s2+$0x0], $0xffff  }
0x3c: {  	v18 =	vadd.s32 $0x4E20, v18;
	v7 =	vld.idx.msk [tilespmem:v7+s2+$0x0], $0xffff;
	v30 =	vpop (erf)  }
0x3d: {  	v27 =	vadd.s32 $0x7530, v46;
	v24 =	vld.idx.msk [tilespmem:v24+s2+$0x0], $0xffff;
	v32 =	vpop (erf)  }
0x3e: {  	v10 =	vadd.s32 $0x4E20, v10;
	v19 =	vld.idx.msk [tilespmem:v19+s2+$0x0], $0xffff;
	v30 =	vadd.f32 v32, v30  }
0x3f: {  	v20 =	vld.idx.msk [tilespmem:v20+s2+$0x0], $0xffff;
	v11 =	vadd.f32 v16, v48;
	v41 =	vadd.f32 v12, v29;
	v15 =	vadd.s32 $0xC350, v15;
	v34 =	vpop (erf)  }
0x40: {  	v12 =	vld.idx.msk [tilespmem:v6+s2+$0x0], $0xffff;
	v1 =	vadd.f32 v1, v21;
	v21 =	vadd.s32 $0xC350, v46;
	v30 =	vadd.f32 v30, v34  }
0x41: {  	v16 =	vadd.s32 $0x4E20, v22;
	v54 =	vadd.f32 v28, v25;
	v6 =	vadd.f32 v26, v49;
	v25 =	vld.idx.msk [tilespmem:v18+s2+$0x0], $0xffff  }
0x42: {  	v55 =	vadd.f32 v0, v31;
	v52 =	vadd.f32 v23, v9;
	v27 =	vld.idx.msk [tilespmem:v27+s2+$0x0], $0xffff;
	v51 =	vmul.f32 $3.832756770e-03, v30  }
0x43: {  	s6 =	simm.s32 $0x60;
	s7 =	simm.s32 $0xC0;
	v10 =	vld.idx.msk [tilespmem:v10+s2+$0x0], $0xffff;
	v7 =	vadd.f32 v7, v33;
	v56 =	vadd.f32 v19, v24  }
0x44: {  	s14 =	sand.u32 $0x60, s6;
	s8 =	sand.u32 $0x7F00, s7;
	v19 =	vld.idx.msk [tilespmem:v15+s2+$0x0], $0xffff;
	v15 =	vadd.f32 v3, v50;
	v53 =	vsub.f32 $5.458546430e-02, v51  }
0x45: {  	s0 =	sadd.s32 $0xEA80, s8;
	s1 =	sor.u32 $0x10, s14;
	v12 =	vadd.f32 v8, v12;
	v22 =	vmax.f32 v41, v11;
	v21 =	vld.idx.msk [tilespmem:v21+s2+$0x0], $0xffff;
	v57 =	vmax.f32 v7, v52  }
0x46: {  	s9 =	sor.u32 s1, s0;
	v9 =	vmov v1;
	v38 =	vmax.f32 v22, v15;
	v22 =	vld.idx.msk [tilespmem:v16+s2+$0x0], $0xffff;
	[tilespmem:$0x1FF90] =	vst v55;
	v23 =	vmul.f32 v53, v30  }
0x47: {  	v63 =	vadd.f32 v27, v35;
	v24 =	vmax.f32 v55, v9;
	v8 =	vsub.f32 v41, v38;
	v31 =	vld [tilespmem:s9+$0x0];
	[tilespmem:$0x1FFA0] =	vst v7  }
0x48: {  	v16 =	vmax.f32 v24, v12;
	v26 =	vsub.f32 v11, v38;
	[tilespmem:$0x1FFB0] =	vst v52;
	v18 =	vadd.f32 $-3.307359220e-01, v23  }
0x49: {  	v27 =	vmax.f32 v63, v56;
	v29 =	vsub.f32 v55, v16;
	v46 =	vsub.f32 v12, v16;
	v61 =	vld [tilespmem:s9+$0x80]  }
0x4a: {  	v10 =	vadd.f32 v19, v10;
	v24 =	vmul.f32 $1.442695020e+00, v8;
	v18 =	vmul.f32 v18, v30  }
0x4b: {  	[tilespmem:$0x1FFC0] =	vst v6;
	v8 =	vadd.f32 v20, v25;
	v20 =	vsub.f32 v9, v16;
	v60 =	vmul.f32 $1.442695020e+00, v26  }
0x4c: {  	s10 =	simm.s32 $0x80;
	s11 =	simm.s32 $0x100;
	s0 =	sor.u32 s14, s0;
	[tilespmem:$0x1FFD0] =	vst v54;
	v29 =	vmul.f32 $1.442695020e+00, v29;
	v42 =	vadd.s32 $0x4E20, v31;
	v19 =	vadd.f32 $1.116219520e+00, v18  }
0x4d: {  	s28 =	sand.u32 $0x60, s10;
	s12 =	sand.u32 $0xFF00, s11;
	v62 =	vadd.f32 v21, v22;
	v22 =	vld [tilespmem:s0+$0x80];
	v45 =	vadd.s32 $0x2710, v31;
	v23 =	vmax.f32 v6, v54  }
0x4e: {  	s3 =	sor.u32 s28, s12;
	v47 =	vadd.s32 $0x7530, v61;
	v25 =	vmul.f32 v19, v30;
	v19 =	vmax.f32 v23, v8;
	v23 =	vld [tilespmem:s0+$0x0];
	[tilespmem:$0x1FFE0] =	vst v56  }
0x4f: {  	v28 =	vsub.f32 v15, v38;
	v46 =	vmul.f32 $1.442695020e+00, v46;
	(erf) = vpow2.f32 v24;
	v26 =	vld [tilespmem:s3+$0xEA80]  }
0x50: {  	v37 =	vmul.f32 $1.442695020e+00, v20;
	(erf) = vpow2.f32 v60;
	v20 =	vmax.f32 v27, v62;
	v24 =	vld.idx.msk [tilespmem:v31+s2+$0x0], $0xffff  }
0x51: {  	v48 =	vadd.s32 $0x9C40, v61;
	(erf) = vpow2.f32 v29;
	v43 =	vsub.f32 v63, v20;
	v5 =	vld.idx.msk [tilespmem:v42+s2+$0x0], $0xffff  }
0x52: {  	s13 =	simm.s32 $0x90;
	s5 =	simm.s32 $0x120;
	v44 =	vsub.f32 v56, v20;
	(erf) = vpow2.f32 v37;
	v18 =	vmax.f32 v57, v10;
	v29 =	vld.idx.msk [tilespmem:v45+s2+$0x0], $0xffff  }
0x53: {  	s29 =	sand.u32 $0x70, s13;
	s20 =	sand.u32 $0xFF00, s5;
	v58 =	vsub.f32 v7, v18;
	v31 =	vadd.s32 $0xC350, v61;
	v57 =	vld.idx.msk [tilespmem:v47+s2+$0x0], $0xffff;
	v21 =	vadd.f32 $-2.331779480e+00, v25  }
0x54: {  	v4 =	vmul.f32 $1.442695020e+00, v43;
	v0 =	vadd.s32 $0x7530, v22;
	v59 =	vsub.f32 v52, v18;
	s0 =	sor.u32 s29, s20;
	v25 =	vld [tilespmem:s3+$0xEB00]  }
0x55: {  	v36 =	vsub.f32 v6, v19;
	v32 =	vmul.f32 $1.442695020e+00, v58;
	v27 =	vmul.f32 v21, v30;
	v21 =	vld [tilespmem:s0+$0xEA80];
	[tilespmem:$0x1FFF0] =	vst v62  }
0x56: {  	v56 =	vmul.f32 $1.442695020e+00, v44;
	v39 =	vsub.f32 v54, v19;
	v33 =	vmul.f32 $1.442695020e+00, v59;
	v60 =	vld.idx.msk [tilespmem:v48+s2+$0x0], $0xffff  }
0x57: {  	s22 =	simm.s32 $0xA0;
	v1 =	vadd.s32 $0x9C40, v22;
	v36 =	vmul.f32 $1.442695020e+00, v36;
	(erf) = vpow2.f32 v32  }
0x58: {  	s23 =	simm.s32 $0x140;
	s6 =	sand.u32 $0x60, s22;
	v55 =	vsub.f32 v10, v18;
	v39 =	vmul.f32 $1.442695020e+00, v39;
	(erf) = vpow2.f32 v33;
	v31 =	vld.idx.msk [tilespmem:v31+s2+$0x0], $0xffff  }
0x59: {  	s24 =	sand.u32 $0xFF00, s23;
	v58 =	vsub.f32 v62, v20;
	v59 =	vmul.f32 $1.442695020e+00, v28;
	(erf) = vpow2.f32 v36;
	[dreg:$0x4] =	wrdreg s6  }
0x5a: {  	v61 =	vmul.f32 $1.442695020e+00, v55;
	s3 =	sor.u32 s6, s24;
	v62 =	vadd.s32 $0x2710, v23;
	(erf) = vpow2.f32 v39;
	v48 =	vld [tilespmem:s0+$0xEB00]  }
0x5b: {  	s26 =	simm.s32 $0xB0;
	s25 =	simm.s32 $0x160;
	v28 =	vadd.f32 v57, v24;
	v51 =	vld [tilespmem:s3+$0xEA80];
	(erf) = vpow2.f32 v4;
	v24 =	vadd.f32 v60, v29  }
0x5c: {  	s31 =	sand.u32 $0xFF00, s25;
	s9 =	sand.u32 $0x70, s26;
	v27 =	vadd.f32 $3.385218140e+00, v27;
	v2 =	vadd.s32 $0x2710, v26;
	v52 =	vld [tilespmem:s3+$0xEB00];
	(erf) = vpow2.f32 v56  }
0x5d: {  	s0 =	sor.u32 s9, s31;
	v54 =	vld.idx.msk [tilespmem:v1+s2+$0x0], $0xffff;
	v29 =	vadd.s32 $0x7530, v25;
	v42 =	vadd.f32 v31, v5;
	v37 =	vmax.f32 v28, v24  }
0x5e: {  	v3 =	vadd.s32 $0x9C40, v25;
	v27 =	vmul.f32 v27, v30;
	v53 =	vld [tilespmem:s0+$0xEA80];
	v31 =	vpop (erf);
	(erf) = vpow2.f32 v59  }
0x5f: {  	v30 =	vsub.f32 v8, v19;
	v32 =	vld [tilespmem:s0+$0xEB00];
	v43 =	vpop (erf);
	(erf) = vpow2.f32 v46;
	v39 =	vmax.f32 v37, v42  }
0x60: {  	v4 =	vadd.s32 $0x2710, v21;
	v36 =	vld.idx.msk [tilespmem:v62+s2+$0x0], $0xffff;
	v37 =	vpop (erf);
	(erf) = vpow2.f32 v61;
	v61 =	vsub.f32 v28, v39  }
0x61: {  	v27 =	vadd.f32 $-1.889587760e+00, v27;
	v30 =	vmul.f32 $1.442695020e+00, v30;
	v55 =	vld.idx.msk [tilespmem:v2+s2+$0x0], $0xffff;
	v5 =	vadd.s32 $0x7530, v48  }
0x62: {  	v44 =	vmul.f32 $1.442695020e+00, v58;
	v56 =	vadd.s32 $0x2710, v51;
	v57 =	vld.idx.msk [tilespmem:v29+s2+$0x0], $0xffff;
	v49 =	vpop (erf);
	v29 =	vmul.f32 $1.442695020e+00, v61  }
0x63: {  	v46 =	vld.idx.msk [tilespmem:v0+s2+$0x0], $0xffff;
	v62 =	vsub.f32 v24, v39;
	(erf) = vpow2.f32 v30;
	v30 =	vadd.s32 $0x9C40, v48;
	v50 =	vpop (erf)  }
0x64: {  	v58 =	vadd.s32 $0x7530, v52;
	v34 =	vld.idx.msk [tilespmem:v3+s2+$0x0], $0xffff;
	v17 =	vadd.f32 v27, v17;
	v59 =	vadd.s32 $0x9C40, v52;
	v0 =	vpop (erf)  }
0x65: {  	v60 =	vld.idx.msk [tilespmem:v4+s2+$0x0], $0xffff;
	v4 =	vadd.s32 $0x2710, v53;
	v1 =	vmul.f32 $1.442695020e+00, v62;
	(erf) = vpow2.f32 v44;
	v27 =	vpop (erf)  }
0x66: {  	v52 =	vadd.s32 $0xC350, v52;
	v2 =	vsub.f32 v42, v39;
	v33 =	vld.idx.msk [tilespmem:v5+s2+$0x0], $0xffff;
	(erf) = vpow2.f32 v29;
	v29 =	vpop (erf)  }
0x67: {  	v31 =	vadd.f32 v43, v31;
	v44 =	vsub.f32 v14, v17;
	v56 =	vld.idx.msk [tilespmem:v56+s2+$0x0], $0xffff;
	(erf) = vpow2.f32 v1;
	v14 =	vpop (erf)  }
0x68: {  	v45 =	vsub.f32 v13, v17;
	v43 =	vsub.f32 v40, v17;
	v3 =	vmul.f32 $1.442695020e+00, v2;
	v30 =	vld.idx.msk [tilespmem:v30+s2+$0x0], $0xffff;
	v61 =	vpop (erf)  }
0x69: {  	v62 =	vadd.s32 $0x9C40, v32;
	v48 =	vadd.s32 $0xC350, v48;
	v13 =	vadd.f32 v49, v37;
	v59 =	vld.idx.msk [tilespmem:v59+s2+$0x0], $0xffff;
	v5 =	vpop (erf)  }
0x6a: {  	v35 =	vadd.f32 v0, v50;
	(erf) = vpow2.f32 v3;
	v37 =	vadd.f32 v31, v5;
	v31 =	vld.idx.msk [tilespmem:v4+s2+$0x0], $0xffff  }
0x6b: {  	v1 =	vadd.s32 $0xC350, v25;
	v27 =	vadd.f32 v29, v27;
	v14 =	vadd.f32 v61, v14;
	v17 =	vpop (erf);
	v4 =	vld.idx.msk [tilespmem:v26+s2+$0x0], $0xffff  }
0x6c: {  	v61 =	vld.idx.msk [tilespmem:v23+s2+$0x0], $0xffff;
	v23 =	vadd.s32 $0x4E20, v23;
	v5 =	vadd.s32 $0x7530, v32;
	v29 =	vpop (erf);
	v50 =	vadd.f32 v13, v17  }
0x6d: {  	v58 =	vld.idx.msk [tilespmem:v58+s2+$0x0], $0xffff;
	v17 =	vadd.f32 v30, v60;
	v60 =	vadd.s32 $0x4E20, v26;
	v13 =	vpop (erf);
	v49 =	vadd.f32 v35, v29  }
0x6e: {  	v26 =	vld.idx.msk [tilespmem:v51+s2+$0x0], $0xffff;
	v29 =	vadd.f32 v34, v55;
	v55 =	vadd.s32 $0xC350, v22;
	v22 =	vadd.f32 v59, v56;
	v40 =	vpop (erf)  }
0x6f: {  	v47 =	vadd.f32 v27, v13;
	v27 =	vld.idx.msk [tilespmem:v62+s2+$0x0], $0xffff;
	v62 =	vadd.f32 v54, v36;
	v25 =	vmul.f32 $3.832756770e-03, v50;
	v13 =	vpop (erf)  }
0x70: {  	v30 =	vld.idx.msk [tilespmem:v21+s2+$0x0], $0xffff;
	v35 =	vadd.f32 v14, v40;
	v40 =	vmul.f32 $3.832756770e-03, v37;
	v14 =	vpop (erf);
	v34 =	vadd.f32 v57, v4  }
0x71: {  	v3 =	vmul.f32 $3.832756770e-03, v47;
	v4 =	vsub.f32 $5.458546430e-02, v25;
	v14 =	vadd.f32 v14, v13  }
0x72: {  	v21 =	vadd.s32 $0x4E20, v21;
	v13 =	vadd.f32 v46, v61;
	v2 =	vsub.f32 $5.458546430e-02, v40  }
0x73: {  	v51 =	vadd.s32 $0x4E20, v51;
	v54 =	vld.idx.msk [tilespmem:v5+s2+$0x0], $0xffff;
	v0 =	vpop (erf);
	v25 =	vadd.f32 v58, v26;
	v36 =	vsub.f32 $5.458546430e-02, v3  }
0x74: {  	v26 =	vld.idx.msk [tilespmem:v53+s2+$0x0], $0xffff;
	v53 =	vadd.s32 $0x4E20, v53;
	v46 =	vadd.f32 v14, v0;
	v14 =	vadd.f32 v27, v31  }
0x75: {  	v31 =	vmul.f32 $3.832756770e-03, v49;
	v27 =	vadd.f32 v33, v30;
	v30 =	vmul.f32 $3.832756770e-03, v35  }
0x76: {  	v40 =	vadd.s32 $0xC350, v32;
	v5 =	vmul.f32 v2, v37;
	v33 =	vmul.f32 v4, v50  }
0x77: {  	v2 =	vmax.f32 v13, v62;
	v36 =	vmul.f32 v36, v47;
	v31 =	vsub.f32 $5.458546430e-02, v31  }
0x78: {  	v30 =	vsub.f32 $5.458546430e-02, v30;
	v59 =	vadd.f32 $-3.307359220e-01, v5;
	v61 =	vmul.f32 $3.832756770e-03, v46  }
0x79: {  	v33 =	vadd.f32 $-3.307359220e-01, v33;
	v26 =	vadd.f32 v54, v26;
	v31 =	vmul.f32 v31, v49  }
0x7a: {  	v36 =	vadd.f32 $-3.307359220e-01, v36;
	v30 =	vmul.f32 v30, v35;
	v32 =	vmul.f32 v59, v37  }
0x7b: {  	v54 =	vsub.f32 $5.458546430e-02, v61;
	v33 =	vmul.f32 v33, v50;
	v31 =	vadd.f32 $-3.307359220e-01, v31  }
0x7c: {  	v56 =	vld.idx.msk [tilespmem:v1+s2+$0x0], $0xffff;
	v36 =	vmul.f32 v36, v47;
	v30 =	vadd.f32 $-3.307359220e-01, v30;
	v32 =	vadd.f32 $1.116219520e+00, v32  }
0x7d: {  	v23 =	vld.idx.msk [tilespmem:v23+s2+$0x0], $0xffff;
	v54 =	vmul.f32 v54, v46;
	v33 =	vadd.f32 $1.116219520e+00, v33;
	v31 =	vmul.f32 v31, v49  }
0x7e: {  	v55 =	vld.idx.msk [tilespmem:v55+s2+$0x0], $0xffff;
	v36 =	vadd.f32 $1.116219520e+00, v36;
	v30 =	vmul.f32 v30, v35;
	v32 =	vmul.f32 v32, v37  }
0x7f: {  	v0 =	vld.idx.msk [tilespmem:v60+s2+$0x0], $0xffff;
	v54 =	vadd.f32 $-3.307359220e-01, v54;
	v33 =	vmul.f32 v33, v50;
	v31 =	vadd.f32 $1.116219520e+00, v31  }
0x80: {  	v36 =	vmul.f32 v36, v47;
	v30 =	vadd.f32 $1.116219520e+00, v30;
	v32 =	vadd.f32 $-2.331779480e+00, v32  }
0x81: {  	v48 =	vld.idx.msk [tilespmem:v48+s2+$0x0], $0xffff;
	v54 =	vmul.f32 v54, v46;
	v33 =	vadd.f32 $-2.331779480e+00, v33;
	v31 =	vmul.f32 v31, v49  }
0x82: {  	v21 =	vld.idx.msk [tilespmem:v21+s2+$0x0], $0xffff;
	v36 =	vadd.f32 $-2.331779480e+00, v36;
	v30 =	vmul.f32 v30, v35;
	v1 =	vmul.f32 v32, v37  }
0x83: {  	v53 =	vld.idx.msk [tilespmem:v53+s2+$0x0], $0xffff;
	v54 =	vadd.f32 $1.116219520e+00, v54;
	v60 =	vmul.f32 v33, v50;
	v32 =	vadd.f32 v55, v23  }
0x84: {  	v23 =	vld.idx.msk [tilespmem:v40+s2+$0x0], $0xffff;
	v33 =	vadd.f32 v56, v0;
	v55 =	vmul.f32 v36, v47;
	v31 =	vadd.f32 $-2.331779480e+00, v31  }
0x85: {  	v52 =	vld.idx.msk [tilespmem:v52+s2+$0x0], $0xffff;
	v36 =	vmax.f32 v34, v29;
	v30 =	vadd.f32 $-2.331779480e+00, v30;
	v4 =	vadd.f32 $3.385218140e+00, v1  }
0x86: {  	s7 =	simm.s32 $0x0;
	v51 =	vld.idx.msk [tilespmem:v51+s2+$0x0], $0xffff;
	v36 =	vmax.f32 v36, v33;
	v55 =	vadd.f32 $3.385218140e+00, v55;
	v61 =	vmul.f32 v31, v49  }
0x87: {  	s3 =	sand.u32 $0xFE00, s7;
	v31 =	vmul.f32 v54, v46;
	v58 =	vmul.f32 v30, v35;
	v30 =	vadd.f32 v48, v21  }
0x88: {  	s3 =	sadd.s32 $0x13980, s3;
	v48 =	vmax.f32 v27, v17;
	v21 =	vmax.f32 v2, v32;
	v0 =	vmul.f32 v4, v37  }
0x89: {  	s7 =	sor.u32 s15, s3;
	v2 =	vadd.f32 $3.385218140e+00, v60;
	v4 =	vmax.f32 v26, v14;
	v23 =	vadd.f32 v23, v53  }
0x8a: {  	[tilespmem:s7+$0x0] =	vst v45;
	v40 =	vsub.f32 v13, v21;
	v1 =	vsub.f32 v62, v21;
	v45 =	vmul.f32 v55, v47  }
0x8b: {  	v3 =	vadd.f32 $-2.331779480e+00, v31;
	v31 =	vadd.f32 v52, v51;
	v52 =	vmax.f32 v25, v22  }
0x8c: {  	v54 =	vadd.f32 $-1.889587760e+00, v0;
	v0 =	vsub.f32 v32, v21;
	v53 =	vmul.f32 $1.442695020e+00, v40  }
0x8d: {  	[tilespmem:s7+$0x100] =	vst v44;
	v44 =	vadd.f32 $3.385218140e+00, v58;
	v37 =	vmul.f32 $1.442695020e+00, v1;
	v5 =	vmul.f32 v3, v46  }
0x8e: {  	v40 =	vsub.f32 v29, v36;
	v3 =	vsub.f32 v34, v36;
	v55 =	vmul.f32 $1.442695020e+00, v0  }
0x8f: {  	(erf) = vpow2.f32 v53;
	v51 =	vadd.f32 $3.385218140e+00, v5;
	v5 =	vadd.f32 $3.385218140e+00, v61  }
0x90: {  	(erf) = vpow2.f32 v37;
	v37 =	vmax.f32 v48, v30;
	v48 =	vadd.f32 v54, v38  }
0x91: {  	v38 =	vmax.f32 v52, v31;
	v60 =	vsub.f32 v27, v37;
	v61 =	vsub.f32 v17, v37  }
0x92: {  	s13 =	simm.s32 $0x200;
	v59 =	vmul.f32 $1.442695020e+00, v40;
	v52 =	vsub.f32 v25, v38;
	v1 =	vsub.f32 v22, v38  }
0x93: {  	s10 =	simm.s32 $0xC0;
	s11 =	simm.s32 $0x100;
	s8 =	simm.s32 $0x80;
	v46 =	vmul.f32 v51, v46;
	v51 =	vmul.f32 $1.442695020e+00, v3;
	v3 =	vsub.f32 v33, v36  }
0x94: {  	s12 =	simm.s32 $0x180;
	s5 =	sand.u32 $0x1FE00, s10;
	s4 =	sand.u32 $0x1FE00, s8;
	v56 =	vmul.f32 v5, v49;
	v5 =	vsub.f32 v31, v38;
	v54 =	vmul.f32 $1.442695020e+00, v61  }
0x95: {  	s25 =	sor.u32 s18, s5;
	s26 =	simm.s32 $0x2C0;
	s6 =	sand.u32 $0x1FE00, s11;
	v52 =	vmul.f32 $1.442695020e+00, v52;
	(erf) = vpow2.f32 v51;
	v46 =	vadd.f32 $-1.889587760e+00, v46  }
0x96: {  	s22 =	sadd.s32 $0x13980, s25;
	s10 =	sand.u32 $0x1FE00, s26;
	s23 =	sor.u32 s19, s6;
	v41 =	vsub.f32 v41, v48;
	v51 =	vmul.f32 $1.442695020e+00, v60;
	v60 =	vmul.f32 v2, v50  }
0x97: {  	s19 =	sadd.s32 $0x13980, s23;
	s15 =	sor.u32 s17, s4;
	s24 =	sor.u32 s16, s3;
	v50 =	vmul.f32 $1.442695020e+00, v5;
	(erf) = vpow2.f32 v59;
	v46 =	vadd.f32 v46, v39  }
0x98: {  	s16 =	simm.s32 $0x240;
	s17 =	sand.u32 $0x1FE00, s13;
	s2 =	simm.s32 $0x140;
	(erf) = vpow2.f32 v51;
	v39 =	vmax.f32 v4, v23;
	v51 =	vmul.f32 $1.442695020e+00, v1  }
0x99: {  	s30 =	sadd.s32 $0x13980, s15;
	s31 =	sand.u32 $0x1FE00, s16;
	s0 =	sand.u32 $0x1FE00, s2;
	(erf) = vpow2.f32 v54;
	v53 =	vsub.f32 v26, v39;
	v2 =	vsub.f32 v14, v39  }
0x9a: {  	[tilespmem:s7+$0x80] =	vst v43;
	s7 =	sor.u32 s29, s31;
	s8 =	sor.u32 s21, s0;
	s0 =	sand.u32 $0xFE00, s12;
	v4 =	vsub.f32 v30, v37;
	v57 =	vsub.f32 v23, v39;
	(erf) = vpow2.f32 v52  }
0x9b: {  	s29 =	simm.s32 $0x110;
	s21 =	simm.s32 $0x280;
	s4 =	sadd.s32 $0x13980, s0;
	v42 =	vsub.f32 v42, v46;
	v54 =	vmul.f32 $1.442695020e+00, v53;
	v52 =	vmul.f32 $1.442695020e+00, v2  }
0x9c: {  	s18 =	sadd.s32 $0x13980, s8;
	s3 =	sand.u32 $0x1FE00, s21;
	s5 =	sor.u32 s1, s4;
	v40 =	vsub.f32 v11, v48;
	[tilespmem:s24+$0x0] =	vst v41;
	(erf) = vpow2.f32 v51;
	v53 =	vmul.f32 $1.442695020e+00, v3  }
0x9d: {  	s20 =	simm.s32 $0x6;
	s0 =	sor.u32 s28, s17;
	s28 =	simm.s32 $0x220;
	v51 =	vmul.f32 $1.442695020e+00, v4;
	v49 =	vmul.f32 $1.442695020e+00, v57;
	[tilespmem:s5+$0x100] =	vst v42;
	v42 =	vadd.f32 $-1.889587760e+00, v60  }
.LBB2_2:
0x9e: {  	s1 =	sadd.s32 $0xFFFFFFB0, s29;
	s6 =	sadd.s32 $0xFFFFFF60, s28  }
0x9f: {  	v35 =	vmul.f32 v44, v35;
	v4 =	vld [tilespmem:$0x1FF90];
	s21 =	sand.u32 $0x60, s1;
	s31 =	sand.u32 $0x7F00, s6;
	v57 =	vadd.f32 $-1.889587760e+00, v45  }
0xa0: {  	v15 =	vsub.f32 v15, v48;
	v1 =	vsub.f32 v24, v46;
	(erf) = vpow2.f32 v54;
	v54 =	vld [tilespmem:$0x1FFA0];
	s11 =	sadd.s32 $0xEA80, s31;
	s2 =	sor.u32 $0x10, s21  }
0xa1: {  	v56 =	vadd.f32 $-1.889587760e+00, v56;
	v41 =	vpop (erf);
	[dreg:$0x5] =	wrdreg s2;
	s2 =	sor.u32 s2, s11;
	v19 =	vadd.f32 v57, v19;
	v57 =	vld [tilespmem:$0x1FFB0]  }
0xa2: {  	s16 =	sadd.s32 $0xFFFFFFD0, s29;
	[tilespmem:s24+$0x80] =	vst v40;
	v16 =	vadd.f32 v42, v16;
	(erf) = vpow2.f32 v52;
	v43 =	vpop (erf);
	v0 =	vadd.f32 $-1.889587760e+00, v35;
	v42 =	vld [tilespmem:s2+$0x0]  }
0xa3: {  	s17 =	smov.u32 s9;
	s13 =	sadd.s32 $0xFFFFFFC0, s28;
	[tilespmem:s24+$0x100] =	vst v15;
	(erf) = vpow2.f32 v55;
	v18 =	vadd.f32 v56, v18;
	v40 =	vadd.f32 v43, v41;
	v58 =	vpop (erf);
	s11 =	sor.u32 s21, s11;
	v41 =	vld [tilespmem:s2+$0x80]  }
0xa4: {  	s12 =	sadd.s32 $0xFFFFFFF0, s29;
	s6 =	sadd.s32 $0xFFFFFFA0, s28;
	s1 =	sadd.s32 $0xFFFFFFE0, s29;
	v55 =	vmov v34;
	v59 =	vpop (erf);
	v43 =	vadd.f32 v0, v20;
	v20 =	vsub.f32 v28, v46;
	v48 =	vld [tilespmem:s11+$0x0];
	[tilespmem:s5+$0x80] =	vst v1  }
0xa5: {  	s9 =	sand.u32 $0x60, s12;
	s31 =	sand.u32 $0x60, s16;
	s16 =	sadd.s32 $0xFFFFFFE0, s28;
	(erf) = vpow2.f32 v53;
	[tilespmem:$0x1FF90] =	vst v55;
	v28 =	vadd.f32 v59, v58;
	v60 =	vpop (erf);
	v15 =	vsub.f32 v4, v16;
	v59 =	vld [tilespmem:$0x1FFC0]  }
0xa6: {  	s6 =	sand.u32 $0xFF00, s6;
	s1 =	sand.u32 $0x70, s1;
	s12 =	sand.u32 $0xFF00, s16;
	v12 =	vsub.f32 v12, v16;
	v52 =	vsub.f32 v9, v16;
	v16 =	vld [tilespmem:s11+$0x80];
	v61 =	vpop (erf);
	[tilespmem:s5+$0x0] =	vst v20  }
0xa7: {  	s16 =	smov.u32 s14;
	s14 =	sor.u32 s31, s6;
	s2 =	sand.u32 $0xFF00, s13;
	v53 =	vmovc v29;
	(erf) = vpow2.f32 v51;
	v10 =	vsub.f32 v10, v18;
	v20 =	vadd.f32 v61, v60;
	[tilespmem:s15+$0x13980] =	vst v15;
	v61 =	vld [tilespmem:$0x1FFD0]  }
0xa8: {  	[dreg:$0x6] =	wrdreg s8;
	[tilespmem:$0x1FF80] =	vst v53;
	s8 =	sor.u32 s1, s2;
	v8 =	vsub.f32 v8, v19;
	(erf) = vpow2.f32 v50;
	v34 =	vld [tilespmem:s14+$0xEA80];
	v29 =	vadd.s32 $0x4E20, v42  }
0xa9: {  	v9 =	vsub.f32 v54, v18;
	(erf) = vpow2.f32 v49;
	v5 =	vpop (erf);
	[tilespmem:s30+$0x80] =	vst v52;
	v52 =	vld [tilespmem:s8+$0xEA80];
	v15 =	vadd.s32 $0x2710, v42  }
0xaa: {  	[tilespmem:s19+$0x100] =	vst v8;
	v24 =	vpop (erf);
	v6 =	vsub.f32 v57, v18;
	v18 =	vadd.s32 $0x7530, v41;
	v46 =	vld [tilespmem:s14+$0xEB00];
	s14 =	smov.u32 s21;
	s21 =	simm.s32 $0x0;
	v7 =	vsub.f32 v59, v19  }
0xab: {  	v3 =	vmov v17;
	[tilespmem:s30+$0x100] =	vst v12;
	v12 =	vadd.s32 $0x9C40, v41;
	v56 =	vpop (erf);
	v47 =	vld.idx.msk [tilespmem:v42+s21+$0x0], $0xffff  }
0xac: {  	v1 =	vsub.f32 v63, v43;
	v24 =	vadd.f32 v24, v5;
	v45 =	vadd.s32 $0x2710, v48;
	v58 =	vpop (erf);
	[tilespmem:s23+$0x13980] =	vst v7;
	v7 =	vld [tilespmem:$0x1FFE0]  }
0xad: {  	[tilespmem:s25+$0x13980] =	vst v9;
	v49 =	vadd.s32 $0x4E20, v48;
	v55 =	vadd.s32 $0x7530, v16;
	v50 =	vadd.s32 $0xC350, v16;
	v60 =	vpop (erf);
	v29 =	vld.idx.msk [tilespmem:v29+s21+$0x0], $0xffff  }
0xae: {  	[tilespmem:s22+$0x100] =	vst v10;
	v35 =	vadd.f32 v58, v56;
	v5 =	vsub.f32 v61, v19;
	v19 =	vadd.s32 $0xC350, v41;
	v4 =	vpop (erf);
	v57 =	vld.idx.msk [tilespmem:v15+s21+$0x0], $0xffff  }
0xaf: {  	v56 =	vadd.s32 $0x9C40, v16;
	v41 =	vmovc v27;
	v44 =	vadd.f32 v40, v60;
	v40 =	vadd.f32 v28, v4;
	v28 =	vld.idx.msk [tilespmem:v18+s21+$0x0], $0xffff  }
0xb0: {  	[tilespmem:s22+$0x80] =	vst v6;
	v58 =	vadd.s32 $0x2710, v34;
	v51 =	vadd.s32 $0x4E20, v34;
	v9 =	vpop (erf);
	v59 =	vadd.s32 $0x7530, v46;
	v17 =	vld.idx.msk [tilespmem:v12+s21+$0x0], $0xffff  }
0xb1: {  	s6 =	sor.u32 s9, s12;
	v60 =	vadd.s32 $0x9C40, v46;
	v53 =	vadd.s32 $0xC350, v46;
	[tilespmem:s19+$0x80] =	vst v5;
	v46 =	vmov v25;
	v25 =	vld [tilespmem:s8+$0xEB00];
	v16 =	vpop (erf)  }
0xb2: {  	v42 =	vadd.f32 v20, v9;
	v8 =	vmul.f32 $3.832756770e-03, v44;
	v9 =	vmov v26;
	v26 =	vld [tilespmem:s6+$0xEA80];
	v10 =	vpop (erf)  }
0xb3: {  	v11 =	vmovc v33;
	s24 =	sand.u32 $0xFF00, s28;
	s13 =	sand.u32 $0x70, s29;
	[tilespmem:$0x1FFA0] =	vst v41;
	s8 =	rddreg [dreg:$0x6];
	v33 =	vld [tilespmem:s6+$0xEB00];
	v41 =	vadd.f32 v24, v16;
	v35 =	vadd.f32 v35, v10;
	v10 =	vmul.f32 $3.832756770e-03, v40  }
0xb4: {  	v2 =	vmovc v22;
	s5 =	sor.u32 s13, s24;
	v22 =	vadd.s32 $0x2710, v52;
	v54 =	vadd.s32 $0x4E20, v52;
	[tilespmem:s8+$0x13980] =	vst v1;
	v27 =	vld.idx.msk [tilespmem:v19+s21+$0x0], $0xffff;
	v61 =	vmul.f32 $3.832756770e-03, v42  }
0xb5: {  	v12 =	vmovc v30;
	[tilespmem:$0x1FFC0] =	vst v46;
	v30 =	vld [tilespmem:s5+$0xEA80];
	v4 =	vsub.f32 $5.458546430e-02, v8;
	v24 =	vmul.f32 $3.832756770e-03, v41;
	v46 =	vsub.f32 $5.458546430e-02, v10  }
0xb6: {  	v20 =	vmovc v39;
	v39 =	vld.idx.msk [tilespmem:v55+s21+$0x0], $0xffff;
	v5 =	vmul.f32 $3.832756770e-03, v35;
	v61 =	vsub.f32 $5.458546430e-02, v61;
	v28 =	vadd.f32 v28, v47  }
0xb7: {  	v18 =	vmovc v37;
	v19 =	vmovc v38;
	v38 =	vld.idx.msk [tilespmem:v45+s21+$0x0], $0xffff;
	v55 =	vadd.s32 $0xC350, v25;
	v37 =	vsub.f32 $5.458546430e-02, v24;
	v24 =	vadd.f32 v17, v57  }
0xb8: {  	v47 =	vld.idx.msk [tilespmem:v56+s21+$0x0], $0xffff;
	v56 =	vadd.s32 $0x7530, v33;
	v63 =	vadd.s32 $0x4E20, v26;
	v10 =	vmovc v31;
	v31 =	vmul.f32 v4, v44  }
0xb9: {  	v15 =	vmovc v32;
	v16 =	vmovc v36;
	v17 =	vld [tilespmem:s5+$0xEB00];
	v32 =	vsub.f32 $5.458546430e-02, v5;
	v36 =	vmul.f32 v46, v40;
	v45 =	vadd.f32 v27, v29  }
0xba: {  	v34 =	vld.idx.msk [tilespmem:v34+s21+$0x0], $0xffff;
	v0 =	vadd.s32 $0x2710, v30;
	v4 =	vadd.s32 $0x4E20, v30;
	v57 =	vmax.f32 v28, v24  }
0xbb: {  	v52 =	vld.idx.msk [tilespmem:v52+s21+$0x0], $0xffff;
	v27 =	vadd.s32 $0x7530, v25;
	v29 =	vadd.s32 $0x9C40, v25;
	v46 =	vmax.f32 v57, v45  }
0xbc: {  	v8 =	vmovc v62;
	v59 =	vld.idx.msk [tilespmem:v59+s21+$0x0], $0xffff;
	v25 =	vadd.s32 $0x2710, v26;
	v32 =	vmul.f32 v32, v35;
	v62 =	vsub.f32 v28, v46  }
0xbd: {  	[tilespmem:$0x1FFB0] =	vst v3;
	v58 =	vld.idx.msk [tilespmem:v58+s21+$0x0], $0xffff;
	v57 =	vadd.s32 $0x9C40, v33;
	v47 =	vadd.f32 v47, v38;
	v1 =	vsub.f32 v24, v46  }
0xbe: {  	[tilespmem:$0x1FFD0] =	vst v2;
	v22 =	vld.idx.msk [tilespmem:v22+s21+$0x0], $0xffff;
	v2 =	vadd.s32 $0x7530, v17;
	v3 =	vadd.s32 $0x9C40, v17;
	v62 =	vmul.f32 $1.442695020e+00, v62  }
0xbf: {  	v60 =	vld.idx.msk [tilespmem:v60+s21+$0x0], $0xffff;
	v5 =	vsub.f32 v45, v46;
	v6 =	vadd.s32 $0xC350, v17;
	v1 =	vmul.f32 $1.442695020e+00, v1  }
0xc0: {  	v17 =	vadd.f32 $-3.307359220e-01, v31;
	v31 =	vmul.f32 v61, v42;
	v27 =	vld.idx.msk [tilespmem:v27+s21+$0x0], $0xffff;
	(erf) = vpow2.f32 v62  }
0xc1: {  	v34 =	vadd.f32 v59, v34;
	v5 =	vmul.f32 $1.442695020e+00, v5;
	v38 =	vld.idx.msk [tilespmem:v29+s21+$0x0], $0xffff;
	(erf) = vpow2.f32 v1  }
0xc2: {  	v32 =	vadd.f32 $-3.307359220e-01, v32;
	v62 =	vmul.f32 v37, v41;
	v37 =	vld.idx.msk [tilespmem:v56+s21+$0x0], $0xffff;
	v56 =	vmul.f32 v17, v44  }
0xc3: {  	v17 =	vadd.f32 $-3.307359220e-01, v31;
	v1 =	vld.idx.msk [tilespmem:v25+s21+$0x0], $0xffff;
	v25 =	vadd.f32 $-3.307359220e-01, v36;
	(erf) = vpow2.f32 v5  }
0xc4: {  	v33 =	vadd.s32 $0xC350, v33;
	v29 =	vadd.f32 v60, v58;
	v31 =	vld.idx.msk [tilespmem:v57+s21+$0x0], $0xffff;
	v36 =	vadd.f32 $-3.307359220e-01, v62  }
0xc5: {  	v48 =	vld.idx.msk [tilespmem:v48+s21+$0x0], $0xffff;
	v5 =	vadd.f32 $1.116219520e+00, v56;
	v61 =	vmul.f32 v17, v42;
	v25 =	vmul.f32 v25, v40  }
0xc6: {  	v17 =	vadd.f32 v38, v22;
	v62 =	vmul.f32 v36, v41;
	v36 =	vsub.f32 v7, v43;
	v7 =	vmovc v14  }
0xc7: {  	v22 =	vmul.f32 v32, v35;
	v27 =	vadd.f32 v27, v52;
	v14 =	vadd.f32 $1.116219520e+00, v61;
	[tilespmem:$0x1FFE0] =	vst v7;
	v7 =	vld [tilespmem:$0x1FFF0]  }
0xc8: {  	v0 =	vld.idx.msk [tilespmem:v0+s21+$0x0], $0xffff;
	v5 =	vmul.f32 v5, v44;
	v25 =	vadd.f32 $1.116219520e+00, v25;
	v60 =	vadd.f32 $1.116219520e+00, v62  }
0xc9: {  	v3 =	vld.idx.msk [tilespmem:v3+s21+$0x0], $0xffff;
	v14 =	vmul.f32 v14, v42;
	v62 =	vadd.f32 $1.116219520e+00, v22;
	v22 =	vadd.f32 v31, v1;
	v61 =	vpop (erf)  }
0xca: {  	v26 =	vld.idx.msk [tilespmem:v26+s21+$0x0], $0xffff;
	v5 =	vadd.f32 $-2.331779480e+00, v5;
	v25 =	vmul.f32 v25, v40;
	v31 =	vmul.f32 v60, v41;
	v58 =	vpop (erf)  }
0xcb: {  	v2 =	vld.idx.msk [tilespmem:v2+s21+$0x0], $0xffff;
	v60 =	vmul.f32 v62, v35;
	v62 =	vadd.f32 $-2.331779480e+00, v14;
	v1 =	vadd.f32 v58, v61  }
0xcc: {  	v52 =	vmax.f32 v27, v17;
	[tilespmem:s18+$0x80] =	vst v36;
	v36 =	vld.idx.msk [tilespmem:v51+s21+$0x0], $0xffff;
	v25 =	vadd.f32 $-2.331779480e+00, v25;
	v56 =	vsub.f32 v7, v43;
	v61 =	vpop (erf)  }
0xcd: {  	v5 =	vmul.f32 v5, v44;
	v43 =	vadd.f32 v39, v48;
	v39 =	vld.idx.msk [tilespmem:v49+s21+$0x0], $0xffff;
	v1 =	vadd.f32 v1, v61  }
0xce: {  	v14 =	vadd.f32 v3, v0;
	v31 =	vadd.f32 $-2.331779480e+00, v31;
	v7 =	vmovc v23;
	v23 =	vld.idx.msk [tilespmem:v50+s21+$0x0], $0xffff;
	v38 =	vmul.f32 v62, v42  }
0xcf: {  	v49 =	vld.idx.msk [tilespmem:v53+s21+$0x0], $0xffff;
	v50 =	vmax.f32 v34, v29;
	v57 =	vmul.f32 v25, v40;
	v25 =	vmul.f32 $3.832756770e-03, v1  }
0xd0: {  	v30 =	vld.idx.msk [tilespmem:v30+s21+$0x0], $0xffff;
	v58 =	vadd.f32 $-2.331779480e+00, v60;
	[tilespmem:s18+$0x100] =	vst v56;
	v31 =	vmul.f32 v31, v41;
	v56 =	vadd.f32 $3.385218140e+00, v38  }
0xd1: {  	v48 =	vmax.f32 v43, v47;
	v61 =	vadd.f32 $3.385218140e+00, v5;
	v60 =	vsub.f32 $5.458546430e-02, v25  }
0xd2: {  	v51 =	vld.idx.msk [tilespmem:v54+s21+$0x0], $0xffff;
	v3 =	vmul.f32 v58, v35;
	v0 =	vadd.f32 $3.385218140e+00, v57;
	v57 =	vadd.f32 $3.385218140e+00, v31  }
0xd3: {  	v53 =	vld.idx.msk [tilespmem:v63+s21+$0x0], $0xffff;
	v56 =	vmul.f32 v56, v42;
	v32 =	vadd.f32 v23, v39;
	v62 =	vmul.f32 v60, v1  }
0xd4: {  	v23 =	vld.idx.msk [tilespmem:v33+s21+$0x0], $0xffff;
	v33 =	vadd.f32 v49, v36;
	v0 =	vmul.f32 v0, v40;
	v25 =	vadd.f32 v37, v26  }
0xd5: {  	v4 =	vld.idx.msk [tilespmem:v4+s21+$0x0], $0xffff;
	v26 =	vadd.f32 v2, v30;
	v2 =	vmul.f32 v61, v44;
	v5 =	vadd.f32 $-3.307359220e-01, v62  }
0xd6: {  	v6 =	vld.idx.msk [tilespmem:v6+s21+$0x0], $0xffff;
	v58 =	vmax.f32 v48, v32;
	v44 =	vadd.f32 $3.385218140e+00, v3;
	v36 =	vmax.f32 v50, v33  }
0xd7: {  	v37 =	vld.idx.msk [tilespmem:v55+s21+$0x0], $0xffff;
	v42 =	vadd.f32 $-1.889587760e+00, v0;
	v61 =	vsub.f32 v47, v58;
	v5 =	vmul.f32 v5, v1  }
0xd8: {  	v48 =	vsub.f32 v32, v58;
	v50 =	vsub.f32 v29, v36;
	v63 =	vmax.f32 v25, v22  }
0xd9: {  	v39 =	vmax.f32 v26, v14;
	v60 =	vsub.f32 v43, v58;
	v5 =	vadd.f32 $1.116219520e+00, v5  }
0xda: {  	v2 =	vadd.f32 $-1.889587760e+00, v2;
	v31 =	vadd.f32 v23, v53;
	v59 =	vmul.f32 $1.442695020e+00, v61  }
0xdb: {  	v23 =	vadd.f32 v6, v4;
	v62 =	vsub.f32 v34, v36;
	v5 =	vmul.f32 v5, v1  }
0xdc: {  	v3 =	vmul.f32 $1.442695020e+00, v60;
	v60 =	vsub.f32 v33, v36;
	v30 =	vadd.f32 v37, v51  }
0xdd: {  	v38 =	vmax.f32 v63, v31;
	v39 =	vmax.f32 v39, v23;
	v63 =	vadd.f32 $-2.331779480e+00, v5  }
0xde: {  	v49 =	vmul.f32 $1.442695020e+00, v50;
	v6 =	vsub.f32 v25, v38;
	v53 =	vsub.f32 v26, v39  }
0xdf: {  	s20 =	sadd.s32 $0x6, s20;
	s26 =	sadd.s32 $0x180, s26;
	s10 =	sor.u32 s17, s10;
	(erf) = vpow2.f32 v3;
	v37 =	vmax.f32 v52, v30;
	v4 =	vmul.f32 v63, v1  }
0xe0: {  	p0 =	slt.u32 s20, $0x270;
	s17 =	sadd.s32 $0x13980, s10;
	s28 =	sadd.s32 $0xC0, s28;
	v55 =	vsub.f32 v14, v39;
	(erf) = vpow2.f32 v59;
	v51 =	vsub.f32 v27, v37  }
0xe1: {  	s12 =	sadd.s32 $0x13980, s7;
	s29 =	sadd.s32 $0x60, s29;
	s24 =	rddreg [dreg:$0x4];
	v6 =	vmul.f32 $1.442695020e+00, v6;
	v54 =	vmul.f32 $1.442695020e+00, v53;
	v4 =	vadd.f32 $3.385218140e+00, v4  }
0xe2: {  	s11 =	sadd.s32 $0x13980, s0;
	s2 =	sor.u32 s24, s3;
	s24 =	sor.u32 s16, s4;
	v52 =	vsub.f32 v17, v37;
	v53 =	vmul.f32 $1.442695020e+00, v60;
	v61 =	vmul.f32 $1.442695020e+00, v51  }
0xe3: {  	s15 =	smov.u32 s0;
	s16 =	sadd.s32 $0x13980, s2;
	s25 =	smov.u32 s9;
	v50 =	vsub.f32 v22, v38;
	v5 =	vmul.f32 $1.442695020e+00, v62;
	v1 =	vmul.f32 v4, v1  }
0xe4: {  	s9 =	smov.u32 s13;
	s13 =	sadd.s32 $0xFFFFFFC0, s26;
	[dreg:$0x4] =	wrdreg s25;
	[tilespmem:$0x1FFF0] =	vst v7;
	v7 =	vsub.f32 v23, v39;
	v62 =	vmul.f32 $1.442695020e+00, v52;
	v52 =	vmul.f32 $1.442695020e+00, v55  }
0xe5: {  	s30 =	smov.u32 s11;
	s25 =	smov.u32 s7;
	s11 =	sadd.s32 $0xFFFFFF40, s26;
	v55 =	vmul.f32 $1.442695020e+00, v48;
	(erf) = vpow2.f32 v5;
	v1 =	vadd.f32 $-1.889587760e+00, v1  }
0xe6: {  	s3 =	sand.u32 $0x1FE00, s13;
	s22 =	smov.u32 s12;
	s12 =	sadd.s32 $0xFFFFFF80, s26;
	v48 =	vadd.f32 v2, v21;
	v63 =	vmul.f32 $1.442695020e+00, v50;
	(erf) = vpow2.f32 v49  }
.Ltmp0:
0xe7: {  	s8 =	smov.u32 s10;
	s10 =	sadd.s32 $0xFFFFFEC0, s26;
	v50 =	vsub.f32 v30, v37;
	(erf) = vpow2.f32 v61;
	v46 =	vadd.f32 v1, v46;
	(pc) =	sbr.rel @p0 .LBB2_2-.Ltmp0, $4  }
0xe8: {  	s23 =	smov.u32 s2;
	s2 =	sand.u32 $0x1FE00, s11;
	s0 =	sand.u32 $0xFE00, s10;
	v5 =	vsub.f32 v13, v48;
	v49 =	vmul.f32 $1.442695020e+00, v7;
	(erf) = vpow2.f32 v62  }
0xe9: {  	s4 =	sadd.s32 $0x13980, s0;
	s18 =	smov.u32 s17;
	s17 =	rddreg [dreg:$0x5];
	v21 =	vmovc v58;
	v13 =	vmovc v43;
	v4 =	vsub.f32 v31, v38;
	(erf) = vpow2.f32 v6;
	v45 =	vsub.f32 v45, v46  }
0xea: {  	s19 =	smov.u32 s16;
	s16 =	sand.u32 $0x1FE00, s12;
	s5 =	sor.u32 s17, s4;
	v40 =	vsub.f32 v8, v48;
	v8 =	vmovc v10;
	v10 =	vmovc v12;
	v51 =	vmul.f32 $1.442695020e+00, v50;
	[tilespmem:s24+$0x0] =	vst v5;
	(erf) = vpow2.f32 v63  }
0xeb: {  	s7 =	sor.u32 s1, s16;
	s10 =	sand.u32 $0x1FE00, s26;
	s0 =	sor.u32 s31, s2;
	v12 =	vmovc v11;
	v62 =	vmovc v47;
	v63 =	vmov v9;
	v9 =	vld [tilespmem:$0x1FF80];
	v50 =	vmul.f32 $1.442695020e+00, v4;
	[tilespmem:s5+$0x100] =	vst v45;
	v45 =	vmul.f32 v57, v41  }
0xec: {  	(erf) = vpow2.f32 v54  }
0xed: {  	v0 =	vpop (erf);
	(erf) = vpow2.f32 v52  }
0xee: {  	v1 =	vpop (erf);
	(erf) = vpow2.f32 v55  }
0xef: {  	v2 =	vpop (erf)  }
0xf0: {  	v3 =	vpop (erf)  }
0xf1: {  	(erf) = vpow2.f32 v53;
	v4 =	vpop (erf)  }
0xf2: {  	v5 =	vadd.f32 $-1.889587760e+00, v56;
	v6 =	vpop (erf)  }
0xf3: {  	v7 =	vmul.f32 v44, v35;
	v16 =	vadd.f32 v42, v16;
	v15 =	vsub.f32 v15, v48;
	v47 =	vpop (erf)  }
0xf4: {  	v56 =	vld [tilespmem:$0x1FF90];
	v52 =	vadd.f32 $-1.889587760e+00, v45;
	v5 =	vadd.f32 v5, v18;
	(erf) = vpow2.f32 v51;
	v41 =	vpop (erf)  }
0xf5: {  	v44 =	vld [tilespmem:$0x1FFB0];
	v7 =	vadd.f32 $-1.889587760e+00, v7;
	v0 =	vadd.f32 v1, v0;
	(erf) = vpow2.f32 v50;
	v53 =	vpop (erf)  }
0xf6: {  	v11 =	vld [tilespmem:$0x1FFC0];
	v12 =	vsub.f32 v12, v16;
	v18 =	vadd.f32 v52, v19;
	v54 =	vpop (erf)  }
0xf7: {  	v7 =	vadd.f32 v7, v20;
	v20 =	vsub.f32 v28, v46;
	v55 =	vpop (erf)  }
0xf8: {  	v2 =	vadd.f32 v3, v2;
	v0 =	vadd.f32 v0, v55  }
0xf9: {  	v59 =	vld [tilespmem:$0x1FFA0];
	v3 =	vsub.f32 v24, v46;
	v24 =	vsub.f32 v56, v16  }
0xfa: {  	v35 =	vsub.f32 v44, v5;
	(erf) = vpow2.f32 v49;
	v57 =	vpop (erf);
	v58 =	vmul.f32 $3.832756770e-03, v0  }
0xfb: {  	v48 =	vsub.f32 v11, v18;
	v2 =	vadd.f32 v2, v57  }
0xfc: {  	v4 =	vadd.f32 v6, v4;
	v60 =	vsub.f32 $5.458546430e-02, v58  }
0xfd: {  	v6 =	vsub.f32 v9, v16;
	v61 =	vadd.f32 v41, v47;
	v45 =	vpop (erf);
	v46 =	vmul.f32 $3.832756770e-03, v2  }
0xfe: {  	v9 =	vsub.f32 v59, v5;
	v4 =	vadd.f32 v4, v45;
	v49 =	vpop (erf);
	v47 =	vmul.f32 v60, v0  }
0xff: {  	v28 =	vadd.f32 v61, v49;
	v42 =	vsub.f32 $5.458546430e-02, v46  }
0x100: {  	v51 =	vld [tilespmem:$0x1FFD0];
	[tilespmem:s24+$0x80] =	vst v40;
	v5 =	vsub.f32 v10, v5;
	v50 =	vmul.f32 $3.832756770e-03, v4;
	v10 =	vadd.f32 $-3.307359220e-01, v47  }
0x101: {  	[tilespmem:s24+$0x100] =	vst v15;
	v8 =	vsub.f32 v8, v18;
	v52 =	vmul.f32 $3.832756770e-03, v28;
	v42 =	vmul.f32 v42, v2  }
0x102: {  	[tilespmem:s5+$0x0] =	vst v20;
	v1 =	vadd.f32 v54, v53;
	v41 =	vsub.f32 $5.458546430e-02, v50;
	v10 =	vmul.f32 v10, v0  }
0x103: {  	[tilespmem:s5+$0x80] =	vst v3;
	v43 =	vpop (erf);
	v53 =	vsub.f32 $5.458546430e-02, v52;
	v42 =	vadd.f32 $-3.307359220e-01, v42  }
0x104: {  	[tilespmem:s15+$0x13980] =	vst v24;
	v1 =	vadd.f32 v1, v43;
	v41 =	vmul.f32 v41, v4;
	v10 =	vadd.f32 $1.116219520e+00, v10  }
0x105: {  	[tilespmem:s30+$0x80] =	vst v6;
	v19 =	vsub.f32 v51, v18;
	v55 =	vmul.f32 v53, v28;
	v42 =	vmul.f32 v42, v2  }
0x106: {  	[tilespmem:s30+$0x100] =	vst v12;
	v54 =	vmul.f32 $3.832756770e-03, v1;
	v41 =	vadd.f32 $-3.307359220e-01, v41;
	v10 =	vmul.f32 v10, v0  }
0x107: {  	[tilespmem:s25+$0x13980] =	vst v9;
	v58 =	vadd.f32 $-3.307359220e-01, v55;
	v57 =	vadd.f32 $1.116219520e+00, v42  }
0x108: {  	v9 =	vld [tilespmem:$0x1FFE0];
	[tilespmem:s22+$0x80] =	vst v35;
	v56 =	vsub.f32 $5.458546430e-02, v54;
	v59 =	vmul.f32 v41, v4;
	v10 =	vadd.f32 $-2.331779480e+00, v10  }
0x109: {  	[tilespmem:s22+$0x100] =	vst v5;
	v60 =	vsub.f32 v63, v7;
	v20 =	vmul.f32 v58, v28;
	v18 =	vmul.f32 v57, v2  }
0x10a: {  	[tilespmem:s23+$0x13980] =	vst v48;
	v15 =	vmul.f32 v56, v1;
	v61 =	vadd.f32 $1.116219520e+00, v59;
	v10 =	vmul.f32 v10, v0  }
0x10b: {  	[tilespmem:s19+$0x80] =	vst v19;
	v41 =	vadd.f32 $1.116219520e+00, v20;
	v40 =	vadd.f32 $-2.331779480e+00, v18  }
0x10c: {  	v47 =	vld [tilespmem:$0x1FFF0];
	v63 =	vadd.f32 $-3.307359220e-01, v15;
	v42 =	vmul.f32 v61, v4;
	v10 =	vadd.f32 $3.385218140e+00, v10  }
0x10d: {  	v9 =	vsub.f32 v9, v7;
	v12 =	vmul.f32 v41, v28;
	v15 =	vmul.f32 v40, v2  }
0x10e: {  	v6 =	vmul.f32 v63, v1;
	v18 =	vadd.f32 $-2.331779480e+00, v42;
	v0 =	vmul.f32 v10, v0  }
0x10f: {  	v45 =	vadd.f32 $-2.331779480e+00, v12;
	v44 =	vadd.f32 $3.385218140e+00, v15  }
0x110: {  	v43 =	vadd.f32 $1.116219520e+00, v6;
	v46 =	vmul.f32 v18, v4;
	v0 =	vadd.f32 $-1.889587760e+00, v0  }
0x111: {  	v7 =	vsub.f32 v47, v7;
	v48 =	vmul.f32 v45, v28;
	v2 =	vmul.f32 v44, v2  }
0x112: {  	[tilespmem:s19+$0x100] =	vst v8;
	v5 =	vmul.f32 v43, v1;
	v49 =	vadd.f32 $3.385218140e+00, v46;
	v0 =	vadd.f32 v0, v21  }
0x113: {  	[tilespmem:s8+$0x13980] =	vst v60;
	v51 =	vadd.f32 $3.385218140e+00, v48;
	v2 =	vadd.f32 $-1.889587760e+00, v2  }
0x114: {  	[tilespmem:s18+$0x80] =	vst v9;
	v50 =	vadd.f32 $-2.331779480e+00, v5;
	v4 =	vmul.f32 v49, v4;
	v52 =	vsub.f32 v13, v0  }
0x115: {  	s1 =	sor.u32 s14, s4;
	[tilespmem:s18+$0x100] =	vst v7;
	v2 =	vadd.f32 v2, v36;
	v53 =	vsub.f32 v62, v0  }
0x116: {  	v4 =	vadd.f32 $-1.889587760e+00, v4;
	v0 =	vsub.f32 v32, v0;
	[tilespmem:s1+$0x0] =	vst v52  }
0x117: {  	v3 =	vmul.f32 v50, v1;
	v54 =	vsub.f32 v34, v2;
	[tilespmem:s1+$0x80] =	vst v53  }
0x118: {  	v5 =	vmul.f32 v51, v28;
	v4 =	vadd.f32 v4, v37;
	v55 =	vsub.f32 v29, v2;
	[tilespmem:s1+$0x100] =	vst v0  }
0x119: {  	s26 =	sadd.s32 $0x13980, s0;
	v3 =	vadd.f32 $3.385218140e+00, v3;
	v2 =	vsub.f32 v33, v2;
	[tilespmem:s0+$0x13980] =	vst v54  }
0x11a: {  	v5 =	vadd.f32 $-1.889587760e+00, v5;
	v56 =	vsub.f32 v27, v4;
	[tilespmem:s26+$0x80] =	vst v55  }
0x11b: {  	v1 =	vmul.f32 v3, v1;
	v58 =	vsub.f32 v17, v4;
	[tilespmem:s26+$0x100] =	vst v2  }
0x11c: {  	s28 =	sadd.s32 $0x13980, s7;
	v57 =	vadd.f32 v5, v38;
	[tilespmem:s7+$0x13980] =	vst v56  }
0x11d: {  	v59 =	vsub.f32 v30, v4;
	v1 =	vadd.f32 $-1.889587760e+00, v1;
	[tilespmem:s28+$0x80] =	vst v58  }
0x11e: {  	v60 =	vsub.f32 v25, v57;
	s1 =	rddreg [dreg:$0x4]  }
0x11f: {  	v61 =	vsub.f32 v22, v57;
	v1 =	vadd.f32 v1, v39;
	[tilespmem:s28+$0x100] =	vst v59;
	s1 =	sor.u32 s1, s3  }
0x120: {  	v0 =	vsub.f32 v31, v57;
	s29 =	sadd.s32 $0x13980, s1;
	[tilespmem:s1+$0x13980] =	vst v60  }
0x121: {  	v62 =	vsub.f32 v26, v1;
	[tilespmem:s29+$0x80] =	vst v61  }
0x122: {  	s30 =	sor.u32 s9, s10;
	v63 =	vsub.f32 v14, v1;
	[tilespmem:s29+$0x100] =	vst v0  }
0x123: {  	s31 =	sadd.s32 $0x13980, s30;
	v1 =	vsub.f32 v23, v1;
	[tilespmem:s30+$0x13980] =	vst v62  }
0x124: {  	[tilespmem:s31+$0x80] =	vst v63  }
0x125: {  	s2 =	simm.s32 $0x0;
	[tilespmem:s31+$0x100] =	vst v1  }
.LBB2_4:
0x126: {  	s0 =	sshra.s32 s21, $0x2  }
0x127: {  	v0 =	vld [tilespmem:s0+$0x138E0];
	_ =	sdelay $0x1  }
0x128: {  	v1 =	vld [tilespmem:s0+$0x13960];
	_ =	sdelay $0x2  }
0x129: {  	v2 =	vadd.s32 $0x2710, v0  }
0x12a: {  	v3 =	vadd.s32 $0x4E20, v0  }
0x12b: {  	v4 =	vadd.s32 $0x7530, v1  }
0x12c: {  	v5 =	vadd.s32 $0x9C40, v1  }
0x12d: {  	v1 =	vadd.s32 $0xC350, v1;
	v0 =	vld.idx.msk [tilespmem:v0+s2+$0x0], $0xffff  }
0x12e: {  	v2 =	vld.idx.msk [tilespmem:v2+s2+$0x0], $0xffff  }
0x12f: {  	v3 =	vld.idx.msk [tilespmem:v3+s2+$0x0], $0xffff  }
0x130: {  	v4 =	vld.idx.msk [tilespmem:v4+s2+$0x0], $0xffff  }
0x131: {  	v5 =	vld.idx.msk [tilespmem:v5+s2+$0x0], $0xffff  }
0x132: {  	v1 =	vld.idx.msk [tilespmem:v1+s2+$0x0], $0xffff;
	_ =	sdelay $0x3  }
0x133: {  	v0 =	vadd.f32 v4, v0;
	v2 =	vadd.f32 v5, v2  }
0x134: {  	v1 =	vadd.f32 v1, v3  }
0x135: {  	v59 =	vmax.f32 v0, v2  }
0x136: {  	v3 =	vmax.f32 v59, v1  }
0x137: {  	v4 =	vsub.f32 v0, v3  }
0x138: {  	v5 =	vsub.f32 v2, v3  }
0x139: {  	v4 =	vmul.f32 $1.442695020e+00, v4  }
0x13a: {  	v6 =	vsub.f32 v1, v3;
	v5 =	vmul.f32 $1.442695020e+00, v5  }
0x13b: {  	(erf) = vpow2.f32 v4  }
0x13c: {  	v60 =	vmul.f32 $1.442695020e+00, v6;
	(erf) = vpow2.f32 v5;
	_ =	sdelay $0x1  }
0x13d: {  	(erf) = vpow2.f32 v60;
	_ =	sdelay $0x5  }
0x13e: {  	v61 =	vpop (erf)  }
0x13f: {  	v5 =	vpop (erf)  }
0x140: {  	v4 =	vadd.f32 v5, v61  }
0x141: {  	v62 =	vpop (erf)  }
0x142: {  	v4 =	vadd.f32 v4, v62;
	_ =	sdelay $0x1  }
0x143: {  	v5 =	vmul.f32 $-3.832756770e-03, v4;
	_ =	sdelay $0x1  }
0x144: {  	v5 =	vadd.f32 $5.458546430e-02, v5;
	_ =	sdelay $0x1  }
0x145: {  	v5 =	vmul.f32 v5, v4;
	_ =	sdelay $0x1  }
0x146: {  	v5 =	vadd.f32 $-3.307359220e-01, v5;
	_ =	sdelay $0x1  }
0x147: {  	v5 =	vmul.f32 v5, v4;
	_ =	sdelay $0x1  }
0x148: {  	v5 =	vadd.f32 $1.116219520e+00, v5;
	_ =	sdelay $0x1  }
0x149: {  	v5 =	vmul.f32 v5, v4;
	_ =	sdelay $0x1  }
0x14a: {  	v5 =	vadd.f32 $-2.331779480e+00, v5;
	_ =	sdelay $0x1  }
0x14b: {  	v5 =	vmul.f32 v5, v4;
	_ =	sdelay $0x1  }
0x14c: {  	v5 =	vadd.f32 $3.385218140e+00, v5;
	_ =	sdelay $0x1  }
0x14d: {  	v4 =	vmul.f32 v5, v4;
	_ =	sdelay $0x1  }
0x14e: {  	v4 =	vadd.f32 $-1.889587760e+00, v4;
	_ =	sdelay $0x1  }
0x14f: {  	v3 =	vadd.f32 v4, v3  }
0x150: {  	p0 =	sne.s32 s21, $0x40  }
.Ltmp1:
0x151: {  	v0 =	vsub.f32 v0, v3;
	(pc) =	sbr.rel @p0 .LBB2_4-.Ltmp1, $4  }
0x152: {  	v2 =	vsub.f32 v2, v3  }
0x153: {  	v63 =	vsub.f32 v1, v3;
	[tilespmem:s0+$0x1D5E0] =	vst v0  }
0x154: {  	[tilespmem:s0+$0x1D660] =	vst v2  }
0x155: {  	s21 =	sadd.s32 $0x40, s21;
	[tilespmem:s0+$0x1D6E0] =	vst v63  }
0x156: {  	s0 =	rddreg [dreg:$0x9];
	s1 =	simm.s32 $0x13980;
	s3 =	simm.s32 $0x2  }
0x157: {  	[hbm4b:s0+s2] =	stream.linear.scatter [tilespmem:s1], [sflag:$0x2], $0x9E00, $0x38;
	[tilespmem:$0x1D780] =	vst v63  }
0x158: {  	_ =	swait.ge [sflag:s3], $0x9E00  }
0x159: {  	s30 =	rddreg [dreg:$0xb]  }
0x15a: {  	s31 =	rddreg [dreg:$0xa];
	s1 =	sadd.s32 $0x1, s30  }
0x15b: {  	p0 =	sne.s32 s1, s31  }
.Ltmp2:
0x15c: {  	_ = 	snop;
	(pc) =	sbr.rel @p0 .LBB2_1-.Ltmp2, $3  }
0x15d: {  	_ =	sdelay $0x1  }
0x15e: {  	[sflag:s3] =	ssyncset.done $0x0  }
0x15f: {  	[sflag:s3] =	ssyncadd.s32 $0xFFFF6200  }
0x160: {  	_ =	sfence.sel $0x180000  }
0x161: {  	[bflag:$0x0] =	sbarrier.arrive $0xFFFF  }
0x162: {  	_ =	strace $0x90000047  }
0x163: {  	s0 =	stileid.u32;
	[bflag:$0x2] =	sbarrier.arrive $0xFFFF  }
0x164: {  	p0 =	sne.s32 s0, $0x0;
	s0 =	rddreg [dreg:$0x3]  }
0x165: {  	s0 =	sadd.s32 @!p0 $0x100000, s0  }
0x166: {  	[sflag:s0] =	ssyncadd.tile.s32 @!p0 $0x1;
	_ =	shalt  }
.Lfunc_end2:
_tile_overlayer_lowered:
.L_overlay_start_2:
0x167: {  	(tag) =	ssettag $0x2  }
0x168: {  	s0 =	rddreg [dreg:$0x0];
	s2 =	stileid.u32  }
0x169: {  	s1 =	rddreg [dreg:$0x1];
	p0 =	sne.s32 s2, $0x0  }
0x16a: {  	s3 =	rddreg [dreg:$0x2];
	[bflag:$0x3] =	sbarrier.arrive $0xFFFF;
	s2 =	simm.s32 @!p0 $0x1C03  }
0x16b: {  	[timem:s3], [sflag:s2] =	dma.local @!p0 [hbm:s0], s1  }
0x16c: {  	s0 =	simm.s32 @!p0 $0x3  }
0x16d: {  	_ =	swait.ge @!p0 [sflag:s0], s1  }
0x16e: {  	s1 =	ssub.s32 @!p0 $0x0, s1;
	[sflag:s0] =	ssyncset.done @!p0 $0x0  }
0x16f: {  	[sflag:s0] =	ssyncadd.s32 @!p0 s1  }
0x170: {  	[bflag:$0x3] =	sbarrier.arrive $0xFFFF  }
0x171: {  	_ =	shalt  }

</sc_bundles>
